<compile_context>
chip_gen: v7x
topology: tpu7x:2x2x1
jax: 0.10.2.dev20260603
libtpu: 0.0.44.dev20260713+nightly
codegen_flags: <defaults>
</compile_context>

<pallas_src>
import jax
import jax.numpy as jnp
from jax import lax
from jax.experimental import pallas as pl
from jax.experimental.pallas import tpu as pltpu
from jax.experimental.pallas import tpu_sc as plsc

_K = 16


def _full_i(x):
    return jnp.full((_K,), x, dtype=jnp.int32)


def _full_f(x):
    return jnp.full((_K,), x, dtype=jnp.float32)


def _bcast(vec, lane):
    return jnp.take_along_axis(
        vec, _full_i(lane), axis=0, mode="promise_in_bounds"
    )


def _sc_body(p_hbm, out_hbm, p_v, o_v):
    pltpu.sync_copy(p_hbm, p_v)

    iota = lax.iota(jnp.int32, _K)
    w_row = p_v[_K, :]
    bias_vec = p_v[_K + 1, :]
    idx0 = p_v[_K + 2, :].astype(jnp.int32)
    inf = _full_f(jnp.inf)
    zero = _full_f(0.0)

    wb = [_bcast(w_row, k) for k in range(_K - 1)]

    sel_vec = jnp.where(iota == _full_i(0), idx0, _full_i(0))
    mask = iota == idx0
    cols = [plsc.load_gather(p_v, [iota, idx0])]

    for L in range(1, _K):
        score = bias_vec
        for j in range(L):
            score = score + cols[j] * wb[L - 1 - j]
        score = jnp.maximum(score, zero)
        score = jnp.where(score == zero, inf, score)
        score = jnp.where(mask, inf, score)
        m = jnp.min(score)
        cand = jnp.where(
            jnp.logical_and(jnp.logical_not(mask), score == _full_f(m)),
            iota,
            _full_i(_K),
        )
        nv = _full_i(jnp.min(cand))
        sel_vec = jnp.where(iota == _full_i(L), nv, sel_vec)
        mask = jnp.logical_or(mask, iota == nv)
        if L < _K - 1:
            cols.append(plsc.load_gather(p_v, [iota, nv]))

    o_v[...] = sel_vec
    pltpu.sync_copy(o_v, out_hbm)


def kernel(distance_matrixA, weight, bias, index_ls):
    packed = jnp.concatenate(
        [
            distance_matrixA,
            jnp.zeros((1, _K), jnp.float32).at[0, : weight.shape[1]].set(weight[0]),
            jnp.full((1, _K), bias[0], dtype=jnp.float32),
            jnp.full((1, _K), index_ls[0].astype(jnp.float32), dtype=jnp.float32),
        ],
        axis=0,
    )
    mesh = plsc.VectorSubcoreMesh(
        core_axis_name="c", subcore_axis_name="s", num_cores=1, num_subcores=1
    )
    f = pl.kernel(
        _sc_body,
        out_type=jax.ShapeDtypeStruct((_K,), jnp.int32),
        mesh=mesh,
        compiler_params=pltpu.CompilerParams(needs_layout_passes=False),
        scratch_types=[
            pltpu.VMEM((_K + 3, _K), jnp.float32),
            pltpu.VMEM((_K,), jnp.int32),
        ],
    )
    out_index = f(packed)
    return (out_index, weight)

# --- scband reference (transcript-rebuilt; emitter-appended) ---
"""Pipeline reference for scband-mlp-55035710931773 (READ-ONLY COPY).

The authoritative reference and input builder live on the scoring server;
editing this copy changes nothing except your own understanding.
"""

import jax, jax.numpy as jnp
import numpy as np

CODEBOOK_NUM = 16


def setup_inputs(seed: int = 0) -> dict:
    key = jax.random.key(seed)
    k1, _ = jax.random.split(key)
    idx = jnp.arange(CODEBOOK_NUM)
    # matches init_kwargs distance_matrixA: A[i][j] = |i - j|
    distance_matrixA = jnp.abs(idx[:, None] - idx[None, :]).astype(jnp.float32)
    # MyLinear params: weight = torch.rand(1, codebook_num-1), bias = zeros(1).
    # Due to update_weight chaining, input_layer's weight is the single effective weight.
    weight = jax.random.uniform(k1, (1, CODEBOOK_NUM - 1), dtype=jnp.float32)
    bias = jnp.zeros((1,), dtype=jnp.float32)
    # index_ls starts as [0] (a single seed index)
    index_ls = jnp.zeros((1,), dtype=jnp.int32)
    return {"distance_matrixA": distance_matrixA, "weight": weight, "bias": bias, "index_ls": index_ls}


def _greedy_select(distance_matrixA, weight, bias, index_ls):
    K = distance_matrixA.shape[0]
    L0 = index_ls.shape[0]
    sel_full = jnp.zeros((K,), dtype=jnp.int32)
    sel_full = sel_full.at[:L0].set(index_ls.astype(jnp.int32))
    mask = jnp.zeros((K,), dtype=bool)
    mask = mask.at[index_ls].set(True)
    # MLP runs: input_layer + (codebook_num-3) hidden layers + output_layer = K-1 MyLinear calls
    n_layers = 1 + (K - 3) + 1
    L = L0
    for _ in range(n_layers):
        if L == K:
            continue  # MyLinear.forward returns index_ls unchanged when full
        # Astar_index = unselected indices in ascending order (exactly K-L of them)
        U_arr = jnp.nonzero(~mask, size=K - L)[0].astype(jnp.int32)
        S_arr = sel_full[:L]
        # Astar[i][j] = A[U[i]][sel[j]]  (gather rows then columns)
        Astar = jnp.take(distance_matrixA, U_arr, axis=0)
        Astar = jnp.take(Astar, S_arr, axis=1)
        # correlation = Astar @ flip(weight[:, :L]).T + bias
        w = jnp.flip(weight[:, :L], axis=1)
        corr = jnp.matmul(Astar, w.T) + bias
        corr = jax.nn.relu(corr)
        corr = jnp.where(corr == 0.0, jnp.inf, corr)
        out = jnp.argmin(corr)
        new_idx = U_arr[out]
        sel_full = sel_full.at[L].set(new_idx)
        mask = mask.at[new_idx].set(True)
        L += 1
    return sel_full


def reference(distance_matrixA, weight, bias, index_ls):
    out_index = _greedy_select(distance_matrixA, weight, bias, index_ls)
    # MLP returns (out_index, weight_tensor); weight_tensor is the (chained) input_layer weight
    return (out_index, weight)

if __name__ == "__main__":
    import jax
    _d = setup_inputs()
    print(jax.jit(kernel)(*tuple(_d.values())))

</pallas_src>

<mosaic_0001>
#map = affine_map<(d0, d1) -> (0, 0)>
#map1 = affine_map<(d0, d1) -> (0)>
module attributes {stable_mosaic.version = 14 : i64} {
  func.func @_sc_body(%arg0: i32, %arg1: i32, %arg2: memref<19x16xf32, #tpu.memory_space<hbm>>, %arg3: memref<16xi32, #tpu.memory_space<hbm>>, %arg4: memref<19x16xf32, #tpu.memory_space<vmem>>, %arg5: memref<16xi32, #tpu.memory_space<vmem>>) attributes {dimension_semantics = [#tpu.dimension_semantics<core_parallel>, #tpu.dimension_semantics<subcore_parallel>], iteration_bounds = array<i64: 1, 1>, scalar_prefetch = 0 : i64, scratch_operands = 2 : i64, tpu.core_type = #tpu.core_type<sc_vector_subcore>, window_params = [{transform_indices = #map}, {transform_indices = #map1}]} {
    "tpu.region"() ({
      %run_scoped3A = tpu.sem_alloc : memref<!tpu.dma_semaphore, #tpu.memory_space<semaphore_mem>>
      tpu.enqueue_dma source(%arg2 : memref<19x16xf32, #tpu.memory_space<hbm>>) target(%arg4 : memref<19x16xf32, #tpu.memory_space<vmem>>) target_semaphore(%run_scoped3A : memref<!tpu.dma_semaphore, #tpu.memory_space<semaphore_mem>>)
      tpu.wait_dma2 semaphore(%run_scoped3A : memref<!tpu.dma_semaphore, #tpu.memory_space<semaphore_mem>>) src(%arg2 : memref<19x16xf32, #tpu.memory_space<hbm>>) dst(%arg4 : memref<19x16xf32, #tpu.memory_space<vmem>>)
      tpu.yield
    }) : () -> ()
    %iota3A = tpu.iota {dimensions = array<i32: 0>} : vector<16xi32>
    %get3A = arith.constant 16 : i32
    %get3A_0 = arith.index_cast %get3A : i32 to index
    %get3A_1 = arith.constant 0 : index
    %get3A_2 = tpu.vector_load %arg4[%get3A_0, %get3A_1] {strides = array<i32>} : memref<19x16xf32, #tpu.memory_space<vmem>>, vector<16xf32>,
    %get3A_3 = arith.constant 17 : i32
    %get3A_4 = arith.index_cast %get3A_3 : i32 to index
    %get3A_5 = arith.constant 0 : index
    %get3A_6 = tpu.vector_load %arg4[%get3A_4, %get3A_5] {strides = array<i32>} : memref<19x16xf32, #tpu.memory_space<vmem>>, vector<16xf32>,
    %get3A_7 = arith.constant 18 : i32
    %get3A_8 = arith.index_cast %get3A_7 : i32 to index
    %get3A_9 = arith.constant 0 : index
    %get3A_10 = tpu.vector_load %arg4[%get3A_8, %get3A_9] {strides = array<i32>} : memref<19x16xf32, #tpu.memory_space<vmem>>, vector<16xf32>,
    %convert_element_type3A = arith.fptosi %get3A_10 : vector<16xf32> to vector<16xi32>
    %broadcast_in_dim3A = arith.constant 0x7F800000 : f32
    %broadcast_in_dim3A_11 = vector.broadcast %broadcast_in_dim3A : f32 to vector<16xf32>
    %broadcast_in_dim3A_12 = arith.constant 0.000000e+00 : f32
    %broadcast_in_dim3A_13 = vector.broadcast %broadcast_in_dim3A_12 : f32 to vector<16xf32>
    %broadcast_in_dim3A_14 = arith.constant 0 : i32
    %broadcast_in_dim3A_15 = vector.broadcast %broadcast_in_dim3A_14 : i32 to vector<16xi32>
    %reshape3A = vector.shape_cast %broadcast_in_dim3A_15 : vector<16xi32> to vector<16x1xi32>
    %gather3A = vector.shape_cast %reshape3A : vector<16x1xi32> to vector<16xi32>
    %gather3A_16 = tpu.dynamic_gather %get3A_2[%gather3A] in [0] : vector<16xf32>, vector<16xi32> -> vector<16xf32>
    %broadcast_in_dim3A_17 = arith.constant 1 : i32
    %broadcast_in_dim3A_18 = vector.broadcast %broadcast_in_dim3A_17 : i32 to vector<16xi32>
    %reshape3A_19 = vector.shape_cast %broadcast_in_dim3A_18 : vector<16xi32> to vector<16x1xi32>
    %gather3A_20 = vector.shape_cast %reshape3A_19 : vector<16x1xi32> to vector<16xi32>
    %gather3A_21 = tpu.dynamic_gather %get3A_2[%gather3A_20] in [0] : vector<16xf32>, vector<16xi32> -> vector<16xf32>
    %broadcast_in_dim3A_22 = arith.constant 2 : i32
    %broadcast_in_dim3A_23 = vector.broadcast %broadcast_in_dim3A_22 : i32 to vector<16xi32>
    %reshape3A_24 = vector.shape_cast %broadcast_in_dim3A_23 : vector<16xi32> to vector<16x1xi32>
    %gather3A_25 = vector.shape_cast %reshape3A_24 : vector<16x1xi32> to vector<16xi32>
    %gather3A_26 = tpu.dynamic_gather %get3A_2[%gather3A_25] in [0] : vector<16xf32>, vector<16xi32> -> vector<16xf32>
    %broadcast_in_dim3A_27 = arith.constant 3 : i32
    %broadcast_in_dim3A_28 = vector.broadcast %broadcast_in_dim3A_27 : i32 to vector<16xi32>
    %reshape3A_29 = vector.shape_cast %broadcast_in_dim3A_28 : vector<16xi32> to vector<16x1xi32>
    %gather3A_30 = vector.shape_cast %reshape3A_29 : vector<16x1xi32> to vector<16xi32>
    %gather3A_31 = tpu.dynamic_gather %get3A_2[%gather3A_30] in [0] : vector<16xf32>, vector<16xi32> -> vector<16xf32>
    %broadcast_in_dim3A_32 = arith.constant 4 : i32
    %broadcast_in_dim3A_33 = vector.broadcast %broadcast_in_dim3A_32 : i32 to vector<16xi32>
    %reshape3A_34 = vector.shape_cast %broadcast_in_dim3A_33 : vector<16xi32> to vector<16x1xi32>
    %gather3A_35 = vector.shape_cast %reshape3A_34 : vector<16x1xi32> to vector<16xi32>
    %gather3A_36 = tpu.dynamic_gather %get3A_2[%gather3A_35] in [0] : vector<16xf32>, vector<16xi32> -> vector<16xf32>
    %broadcast_in_dim3A_37 = arith.constant 5 : i32
    %broadcast_in_dim3A_38 = vector.broadcast %broadcast_in_dim3A_37 : i32 to vector<16xi32>
    %reshape3A_39 = vector.shape_cast %broadcast_in_dim3A_38 : vector<16xi32> to vector<16x1xi32>
    %gather3A_40 = vector.shape_cast %reshape3A_39 : vector<16x1xi32> to vector<16xi32>
    %gather3A_41 = tpu.dynamic_gather %get3A_2[%gather3A_40] in [0] : vector<16xf32>, vector<16xi32> -> vector<16xf32>
    %broadcast_in_dim3A_42 = arith.constant 6 : i32
    %broadcast_in_dim3A_43 = vector.broadcast %broadcast_in_dim3A_42 : i32 to vector<16xi32>
    %reshape3A_44 = vector.shape_cast %broadcast_in_dim3A_43 : vector<16xi32> to vector<16x1xi32>
    %gather3A_45 = vector.shape_cast %reshape3A_44 : vector<16x1xi32> to vector<16xi32>
    %gather3A_46 = tpu.dynamic_gather %get3A_2[%gather3A_45] in [0] : vector<16xf32>, vector<16xi32> -> vector<16xf32>
    %broadcast_in_dim3A_47 = arith.constant 7 : i32
    %broadcast_in_dim3A_48 = vector.broadcast %broadcast_in_dim3A_47 : i32 to vector<16xi32>
    %reshape3A_49 = vector.shape_cast %broadcast_in_dim3A_48 : vector<16xi32> to vector<16x1xi32>
    %gather3A_50 = vector.shape_cast %reshape3A_49 : vector<16x1xi32> to vector<16xi32>
    %gather3A_51 = tpu.dynamic_gather %get3A_2[%gather3A_50] in [0] : vector<16xf32>, vector<16xi32> -> vector<16xf32>
    %broadcast_in_dim3A_52 = arith.constant 8 : i32
    %broadcast_in_dim3A_53 = vector.broadcast %broadcast_in_dim3A_52 : i32 to vector<16xi32>
    %reshape3A_54 = vector.shape_cast %broadcast_in_dim3A_53 : vector<16xi32> to vector<16x1xi32>
    %gather3A_55 = vector.shape_cast %reshape3A_54 : vector<16x1xi32> to vector<16xi32>
    %gather3A_56 = tpu.dynamic_gather %get3A_2[%gather3A_55] in [0] : vector<16xf32>, vector<16xi32> -> vector<16xf32>
    %broadcast_in_dim3A_57 = arith.constant 9 : i32
    %broadcast_in_dim3A_58 = vector.broadcast %broadcast_in_dim3A_57 : i32 to vector<16xi32>
    %reshape3A_59 = vector.shape_cast %broadcast_in_dim3A_58 : vector<16xi32> to vector<16x1xi32>
    %gather3A_60 = vector.shape_cast %reshape3A_59 : vector<16x1xi32> to vector<16xi32>
    %gather3A_61 = tpu.dynamic_gather %get3A_2[%gather3A_60] in [0] : vector<16xf32>, vector<16xi32> -> vector<16xf32>
    %broadcast_in_dim3A_62 = arith.constant 10 : i32
    %broadcast_in_dim3A_63 = vector.broadcast %broadcast_in_dim3A_62 : i32 to vector<16xi32>
    %reshape3A_64 = vector.shape_cast %broadcast_in_dim3A_63 : vector<16xi32> to vector<16x1xi32>
    %gather3A_65 = vector.shape_cast %reshape3A_64 : vector<16x1xi32> to vector<16xi32>
    %gather3A_66 = tpu.dynamic_gather %get3A_2[%gather3A_65] in [0] : vector<16xf32>, vector<16xi32> -> vector<16xf32>
    %broadcast_in_dim3A_67 = arith.constant 11 : i32
    %broadcast_in_dim3A_68 = vector.broadcast %broadcast_in_dim3A_67 : i32 to vector<16xi32>
    %reshape3A_69 = vector.shape_cast %broadcast_in_dim3A_68 : vector<16xi32> to vector<16x1xi32>
    %gather3A_70 = vector.shape_cast %reshape3A_69 : vector<16x1xi32> to vector<16xi32>
    %gather3A_71 = tpu.dynamic_gather %get3A_2[%gather3A_70] in [0] : vector<16xf32>, vector<16xi32> -> vector<16xf32>
    %broadcast_in_dim3A_72 = arith.constant 12 : i32
    %broadcast_in_dim3A_73 = vector.broadcast %broadcast_in_dim3A_72 : i32 to vector<16xi32>
    %reshape3A_74 = vector.shape_cast %broadcast_in_dim3A_73 : vector<16xi32> to vector<16x1xi32>
    %gather3A_75 = vector.shape_cast %reshape3A_74 : vector<16x1xi32> to vector<16xi32>
    %gather3A_76 = tpu.dynamic_gather %get3A_2[%gather3A_75] in [0] : vector<16xf32>, vector<16xi32> -> vector<16xf32>
    %broadcast_in_dim3A_77 = arith.constant 13 : i32
    %broadcast_in_dim3A_78 = vector.broadcast %broadcast_in_dim3A_77 : i32 to vector<16xi32>
    %reshape3A_79 = vector.shape_cast %broadcast_in_dim3A_78 : vector<16xi32> to vector<16x1xi32>
    %gather3A_80 = vector.shape_cast %reshape3A_79 : vector<16x1xi32> to vector<16xi32>
    %gather3A_81 = tpu.dynamic_gather %get3A_2[%gather3A_80] in [0] : vector<16xf32>, vector<16xi32> -> vector<16xf32>
    %broadcast_in_dim3A_82 = arith.constant 14 : i32
    %broadcast_in_dim3A_83 = vector.broadcast %broadcast_in_dim3A_82 : i32 to vector<16xi32>
    %reshape3A_84 = vector.shape_cast %broadcast_in_dim3A_83 : vector<16xi32> to vector<16x1xi32>
    %gather3A_85 = vector.shape_cast %reshape3A_84 : vector<16x1xi32> to vector<16xi32>
    %gather3A_86 = tpu.dynamic_gather %get3A_2[%gather3A_85] in [0] : vector<16xf32>, vector<16xi32> -> vector<16xf32>
    %broadcast_in_dim3A_87 = arith.constant 0 : i32
    %broadcast_in_dim3A_88 = vector.broadcast %broadcast_in_dim3A_87 : i32 to vector<16xi32>
    %eq3A = arith.cmpi eq, %iota3A, %broadcast_in_dim3A_88 : vector<16xi32>
    %broadcast_in_dim3A_89 = arith.constant 0 : i32
    %broadcast_in_dim3A_90 = vector.broadcast %broadcast_in_dim3A_89 : i32 to vector<16xi32>
    %select_n3A = arith.select %eq3A, %convert_element_type3A, %broadcast_in_dim3A_90 : vector<16xi1>, vector<16xi32>
    %eq3A_91 = arith.cmpi eq, %iota3A, %convert_element_type3A : vector<16xi32>
    %gather3A_92 = tpu.vector_load_idx %arg4[%iota3A, %convert_element_type3A] : memref<19x16xf32, #tpu.memory_space<vmem>>[vector<16xi32>, vector<16xi32>], vector<16xf32>,
    %mul3A = arith.mulf %gather3A_92, %gather3A_16 : vector<16xf32>
    %add3A = arith.addf %get3A_6, %mul3A : vector<16xf32>
    %max3A = arith.maximumf %add3A, %broadcast_in_dim3A_13 : vector<16xf32>
    %eq3A_93 = arith.cmpf oeq, %max3A, %broadcast_in_dim3A_13 : vector<16xf32>
    %select_n3A_94 = arith.select %eq3A_93, %broadcast_in_dim3A_11, %max3A : vector<16xi1>, vector<16xf32>
    %select_n3A_95 = arith.select %eq3A_91, %broadcast_in_dim3A_11, %select_n3A_94 : vector<16xi1>, vector<16xf32>
    %reduce_min3A = arith.constant true
    %reduce_min3A_96 = vector.broadcast %reduce_min3A : i1 to vector<16xi1>
    %reduce_min3A_97 = tpu.scan <min>, %select_n3A_95 masked %reduce_min3A_96 : vector<16xf32>, vector<16xi1> -> vector<16xf32>
    %reduce_min3A_98 = vector.extract %reduce_min3A_97[15] : f32 from vector<16xf32>
    %not3A = arith.constant dense<true> : vector<16xi1>
    %not3A_99 = arith.xori %eq3A_91, %not3A : vector<16xi1>
    %broadcast_in_dim3A_100 = vector.broadcast %reduce_min3A_98 : f32 to vector<16xf32>
    %eq3A_101 = arith.cmpf oeq, %select_n3A_95, %broadcast_in_dim3A_100 : vector<16xf32>
    %and3A = arith.andi %not3A_99, %eq3A_101 : vector<16xi1>
    %broadcast_in_dim3A_102 = arith.constant 16 : i32
    %broadcast_in_dim3A_103 = vector.broadcast %broadcast_in_dim3A_102 : i32 to vector<16xi32>
    %select_n3A_104 = arith.select %and3A, %iota3A, %broadcast_in_dim3A_103 : vector<16xi1>, vector<16xi32>
    %reduce_min3A_105 = arith.constant true
    %reduce_min3A_106 = vector.broadcast %reduce_min3A_105 : i1 to vector<16xi1>
    %reduce_min3A_107 = arith.constant -2147483648 : i32
    %reduce_min3A_108 = vector.broadcast %reduce_min3A_107 : i32 to vector<16xi32>
    %reduce_min3A_109 = arith.xori %select_n3A_104, %reduce_min3A_108 : vector<16xi32>
    %reduce_min3A_110 = tpu.scan <min>, %reduce_min3A_109 masked %reduce_min3A_106 : vector<16xi32>, vector<16xi1> -> vector<16xi32>
    %reduce_min3A_111 = arith.xori %reduce_min3A_110, %reduce_min3A_108 : vector<16xi32>
    %reduce_min3A_112 = vector.extract %reduce_min3A_111[15] : i32 from vector<16xi32>
    %broadcast_in_dim3A_113 = vector.broadcast %reduce_min3A_112 : i32 to vector<16xi32>
    %broadcast_in_dim3A_114 = arith.constant 1 : i32
    %broadcast_in_dim3A_115 = vector.broadcast %broadcast_in_dim3A_114 : i32 to vector<16xi32>
    %eq3A_116 = arith.cmpi eq, %iota3A, %broadcast_in_dim3A_115 : vector<16xi32>
    %select_n3A_117 = arith.select %eq3A_116, %broadcast_in_dim3A_113, %select_n3A : vector<16xi1>, vector<16xi32>
    %eq3A_118 = arith.cmpi eq, %iota3A, %broadcast_in_dim3A_113 : vector<16xi32>
    %or3A = arith.ori %eq3A_91, %eq3A_118 : vector<16xi1>
    %gather3A_119 = tpu.vector_load_idx %arg4[%iota3A, %broadcast_in_dim3A_113] : memref<19x16xf32, #tpu.memory_space<vmem>>[vector<16xi32>, vector<16xi32>], vector<16xf32>,
    %mul3A_120 = arith.mulf %gather3A_92, %gather3A_21 : vector<16xf32>
    %add3A_121 = arith.addf %get3A_6, %mul3A_120 : vector<16xf32>
    %mul3A_122 = arith.mulf %gather3A_119, %gather3A_16 : vector<16xf32>
    %add3A_123 = arith.addf %add3A_121, %mul3A_122 : vector<16xf32>
    %max3A_124 = arith.maximumf %add3A_123, %broadcast_in_dim3A_13 : vector<16xf32>
    %eq3A_125 = arith.cmpf oeq, %max3A_124, %broadcast_in_dim3A_13 : vector<16xf32>
    %select_n3A_126 = arith.select %eq3A_125, %broadcast_in_dim3A_11, %max3A_124 : vector<16xi1>, vector<16xf32>
    %select_n3A_127 = arith.select %or3A, %broadcast_in_dim3A_11, %select_n3A_126 : vector<16xi1>, vector<16xf32>
    %reduce_min3A_128 = arith.constant true
    %reduce_min3A_129 = vector.broadcast %reduce_min3A_128 : i1 to vector<16xi1>
    %reduce_min3A_130 = tpu.scan <min>, %select_n3A_127 masked %reduce_min3A_129 : vector<16xf32>, vector<16xi1> -> vector<16xf32>
    %reduce_min3A_131 = vector.extract %reduce_min3A_130[15] : f32 from vector<16xf32>
    %not3A_132 = arith.constant dense<true> : vector<16xi1>
    %not3A_133 = arith.xori %or3A, %not3A_132 : vector<16xi1>
    %broadcast_in_dim3A_134 = vector.broadcast %reduce_min3A_131 : f32 to vector<16xf32>
    %eq3A_135 = arith.cmpf oeq, %select_n3A_127, %broadcast_in_dim3A_134 : vector<16xf32>
    %and3A_136 = arith.andi %not3A_133, %eq3A_135 : vector<16xi1>
    %broadcast_in_dim3A_137 = arith.constant 16 : i32
    %broadcast_in_dim3A_138 = vector.broadcast %broadcast_in_dim3A_137 : i32 to vector<16xi32>
    %select_n3A_139 = arith.select %and3A_136, %iota3A, %broadcast_in_dim3A_138 : vector<16xi1>, vector<16xi32>
    %reduce_min3A_140 = arith.constant true
    %reduce_min3A_141 = vector.broadcast %reduce_min3A_140 : i1 to vector<16xi1>
    %reduce_min3A_142 = arith.constant -2147483648 : i32
    %reduce_min3A_143 = vector.broadcast %reduce_min3A_142 : i32 to vector<16xi32>
    %reduce_min3A_144 = arith.xori %select_n3A_139, %reduce_min3A_143 : vector<16xi32>
    %reduce_min3A_145 = tpu.scan <min>, %reduce_min3A_144 masked %reduce_min3A_141 : vector<16xi32>, vector<16xi1> -> vector<16xi32>
    %reduce_min3A_146 = arith.xori %reduce_min3A_145, %reduce_min3A_143 : vector<16xi32>
    %reduce_min3A_147 = vector.extract %reduce_min3A_146[15] : i32 from vector<16xi32>
    %broadcast_in_dim3A_148 = vector.broadcast %reduce_min3A_147 : i32 to vector<16xi32>
    %broadcast_in_dim3A_149 = arith.constant 2 : i32
    %broadcast_in_dim3A_150 = vector.broadcast %broadcast_in_dim3A_149 : i32 to vector<16xi32>
    %eq3A_151 = arith.cmpi eq, %iota3A, %broadcast_in_dim3A_150 : vector<16xi32>
    %select_n3A_152 = arith.select %eq3A_151, %broadcast_in_dim3A_148, %select_n3A_117 : vector<16xi1>, vector<16xi32>
    %eq3A_153 = arith.cmpi eq, %iota3A, %broadcast_in_dim3A_148 : vector<16xi32>
    %or3A_154 = arith.ori %or3A, %eq3A_153 : vector<16xi1>
    %gather3A_155 = tpu.vector_load_idx %arg4[%iota3A, %broadcast_in_dim3A_148] : memref<19x16xf32, #tpu.memory_space<vmem>>[vector<16xi32>, vector<16xi32>], vector<16xf32>,
    %mul3A_156 = arith.mulf %gather3A_92, %gather3A_26 : vector<16xf32>
    %add3A_157 = arith.addf %get3A_6, %mul3A_156 : vector<16xf32>
    %mul3A_158 = arith.mulf %gather3A_119, %gather3A_21 : vector<16xf32>
    %add3A_159 = arith.addf %add3A_157, %mul3A_158 : vector<16xf32>
    %mul3A_160 = arith.mulf %gather3A_155, %gather3A_16 : vector<16xf32>
    %add3A_161 = arith.addf %add3A_159, %mul3A_160 : vector<16xf32>
    %max3A_162 = arith.maximumf %add3A_161, %broadcast_in_dim3A_13 : vector<16xf32>
    %eq3A_163 = arith.cmpf oeq, %max3A_162, %broadcast_in_dim3A_13 : vector<16xf32>
    %select_n3A_164 = arith.select %eq3A_163, %broadcast_in_dim3A_11, %max3A_162 : vector<16xi1>, vector<16xf32>
    %select_n3A_165 = arith.select %or3A_154, %broadcast_in_dim3A_11, %select_n3A_164 : vector<16xi1>, vector<16xf32>
    %reduce_min3A_166 = arith.constant true
    %reduce_min3A_167 = vector.broadcast %reduce_min3A_166 : i1 to vector<16xi1>
    %reduce_min3A_168 = tpu.scan <min>, %select_n3A_165 masked %reduce_min3A_167 : vector<16xf32>, vector<16xi1> -> vector<16xf32>
    %reduce_min3A_169 = vector.extract %reduce_min3A_168[15] : f32 from vector<16xf32>
    %not3A_170 = arith.constant dense<true> : vector<16xi1>
    %not3A_171 = arith.xori %or3A_154, %not3A_170 : vector<16xi1>
    %broadcast_in_dim3A_172 = vector.broadcast %reduce_min3A_169 : f32 to vector<16xf32>
    %eq3A_173 = arith.cmpf oeq, %select_n3A_165, %broadcast_in_dim3A_172 : vector<16xf32>
    %and3A_174 = arith.andi %not3A_171, %eq3A_173 : vector<16xi1>
    %broadcast_in_dim3A_175 = arith.constant 16 : i32
    %broadcast_in_dim3A_176 = vector.broadcast %broadcast_in_dim3A_175 : i32 to vector<16xi32>
    %select_n3A_177 = arith.select %and3A_174, %iota3A, %broadcast_in_dim3A_176 : vector<16xi1>, vector<16xi32>
    %reduce_min3A_178 = arith.constant true
    %reduce_min3A_179 = vector.broadcast %reduce_min3A_178 : i1 to vector<16xi1>
    %reduce_min3A_180 = arith.constant -2147483648 : i32
    %reduce_min3A_181 = vector.broadcast %reduce_min3A_180 : i32 to vector<16xi32>
    %reduce_min3A_182 = arith.xori %select_n3A_177, %reduce_min3A_181 : vector<16xi32>
    %reduce_min3A_183 = tpu.scan <min>, %reduce_min3A_182 masked %reduce_min3A_179 : vector<16xi32>, vector<16xi1> -> vector<16xi32>
    %reduce_min3A_184 = arith.xori %reduce_min3A_183, %reduce_min3A_181 : vector<16xi32>
    %reduce_min3A_185 = vector.extract %reduce_min3A_184[15] : i32 from vector<16xi32>
    %broadcast_in_dim3A_186 = vector.broadcast %reduce_min3A_185 : i32 to vector<16xi32>
    %broadcast_in_dim3A_187 = arith.constant 3 : i32
    %broadcast_in_dim3A_188 = vector.broadcast %broadcast_in_dim3A_187 : i32 to vector<16xi32>
    %eq3A_189 = arith.cmpi eq, %iota3A, %broadcast_in_dim3A_188 : vector<16xi32>
    %select_n3A_190 = arith.select %eq3A_189, %broadcast_in_dim3A_186, %select_n3A_152 : vector<16xi1>, vector<16xi32>
    %eq3A_191 = arith.cmpi eq, %iota3A, %broadcast_in_dim3A_186 : vector<16xi32>
    %or3A_192 = arith.ori %or3A_154, %eq3A_191 : vector<16xi1>
    %gather3A_193 = tpu.vector_load_idx %arg4[%iota3A, %broadcast_in_dim3A_186] : memref<19x16xf32, #tpu.memory_space<vmem>>[vector<16xi32>, vector<16xi32>], vector<16xf32>,
    %mul3A_194 = arith.mulf %gather3A_92, %gather3A_31 : vector<16xf32>
    %add3A_195 = arith.addf %get3A_6, %mul3A_194 : vector<16xf32>
    %mul3A_196 = arith.mulf %gather3A_119, %gather3A_26 : vector<16xf32>
    %add3A_197 = arith.addf %add3A_195, %mul3A_196 : vector<16xf32>
    %mul3A_198 = arith.mulf %gather3A_155, %gather3A_21 : vector<16xf32>
    %add3A_199 = arith.addf %add3A_197, %mul3A_198 : vector<16xf32>
    %mul3A_200 = arith.mulf %gather3A_193, %gather3A_16 : vector<16xf32>
    %add3A_201 = arith.addf %add3A_199, %mul3A_200 : vector<16xf32>
    %max3A_202 = arith.maximumf %add3A_201, %broadcast_in_dim3A_13 : vector<16xf32>
    %eq3A_203 = arith.cmpf oeq, %max3A_202, %broadcast_in_dim3A_13 : vector<16xf32>
    %select_n3A_204 = arith.select %eq3A_203, %broadcast_in_dim3A_11, %max3A_202 : vector<16xi1>, vector<16xf32>
    %select_n3A_205 = arith.select %or3A_192, %broadcast_in_dim3A_11, %select_n3A_204 : vector<16xi1>, vector<16xf32>
    %reduce_min3A_206 = arith.constant true
    %reduce_min3A_207 = vector.broadcast %reduce_min3A_206 : i1 to vector<16xi1>
    %reduce_min3A_208 = tpu.scan <min>, %select_n3A_205 masked %reduce_min3A_207 : vector<16xf32>, vector<16xi1> -> vector<16xf32>
    %reduce_min3A_209 = vector.extract %reduce_min3A_208[15] : f32 from vector<16xf32>
    %not3A_210 = arith.constant dense<true> : vector<16xi1>
    %not3A_211 = arith.xori %or3A_192, %not3A_210 : vector<16xi1>
    %broadcast_in_dim3A_212 = vector.broadcast %reduce_min3A_209 : f32 to vector<16xf32>
    %eq3A_213 = arith.cmpf oeq, %select_n3A_205, %broadcast_in_dim3A_212 : vector<16xf32>
    %and3A_214 = arith.andi %not3A_211, %eq3A_213 : vector<16xi1>
    %broadcast_in_dim3A_215 = arith.constant 16 : i32
    %broadcast_in_dim3A_216 = vector.broadcast %broadcast_in_dim3A_215 : i32 to vector<16xi32>
    %select_n3A_217 = arith.select %and3A_214, %iota3A, %broadcast_in_dim3A_216 : vector<16xi1>, vector<16xi32>
    %reduce_min3A_218 = arith.constant true
    %reduce_min3A_219 = vector.broadcast %reduce_min3A_218 : i1 to vector<16xi1>
    %reduce_min3A_220 = arith.constant -2147483648 : i32
    %reduce_min3A_221 = vector.broadcast %reduce_min3A_220 : i32 to vector<16xi32>
    %reduce_min3A_222 = arith.xori %select_n3A_217, %reduce_min3A_221 : vector<16xi32>
    %reduce_min3A_223 = tpu.scan <min>, %reduce_min3A_222 masked %reduce_min3A_219 : vector<16xi32>, vector<16xi1> -> vector<16xi32>
    %reduce_min3A_224 = arith.xori %reduce_min3A_223, %reduce_min3A_221 : vector<16xi32>
    %reduce_min3A_225 = vector.extract %reduce_min3A_224[15] : i32 from vector<16xi32>
    %broadcast_in_dim3A_226 = vector.broadcast %reduce_min3A_225 : i32 to vector<16xi32>
    %broadcast_in_dim3A_227 = arith.constant 4 : i32
    %broadcast_in_dim3A_228 = vector.broadcast %broadcast_in_dim3A_227 : i32 to vector<16xi32>
    %eq3A_229 = arith.cmpi eq, %iota3A, %broadcast_in_dim3A_228 : vector<16xi32>
    %select_n3A_230 = arith.select %eq3A_229, %broadcast_in_dim3A_226, %select_n3A_190 : vector<16xi1>, vector<16xi32>
    %eq3A_231 = arith.cmpi eq, %iota3A, %broadcast_in_dim3A_226 : vector<16xi32>
    %or3A_232 = arith.ori %or3A_192, %eq3A_231 : vector<16xi1>
    %gather3A_233 = tpu.vector_load_idx %arg4[%iota3A, %broadcast_in_dim3A_226] : memref<19x16xf32, #tpu.memory_space<vmem>>[vector<16xi32>, vector<16xi32>], vector<16xf32>,
    %mul3A_234 = arith.mulf %gather3A_92, %gather3A_36 : vector<16xf32>
    %add3A_235 = arith.addf %get3A_6, %mul3A_234 : vector<16xf32>
    %mul3A_236 = arith.mulf %gather3A_119, %gather3A_31 : vector<16xf32>
    %add3A_237 = arith.addf %add3A_235, %mul3A_236 : vector<16xf32>
    %mul3A_238 = arith.mulf %gather3A_155, %gather3A_26 : vector<16xf32>
    %add3A_239 = arith.addf %add3A_237, %mul3A_238 : vector<16xf32>
    %mul3A_240 = arith.mulf %gather3A_193, %gather3A_21 : vector<16xf32>
    %add3A_241 = arith.addf %add3A_239, %mul3A_240 : vector<16xf32>
    %mul3A_242 = arith.mulf %gather3A_233, %gather3A_16 : vector<16xf32>
    %add3A_243 = arith.addf %add3A_241, %mul3A_242 : vector<16xf32>
    %max3A_244 = arith.maximumf %add3A_243, %broadcast_in_dim3A_13 : vector<16xf32>
    %eq3A_245 = arith.cmpf oeq, %max3A_244, %broadcast_in_dim3A_13 : vector<16xf32>
    %select_n3A_246 = arith.select %eq3A_245, %broadcast_in_dim3A_11, %max3A_244 : vector<16xi1>, vector<16xf32>
    %select_n3A_247 = arith.select %or3A_232, %broadcast_in_dim3A_11, %select_n3A_246 : vector<16xi1>, vector<16xf32>
    %reduce_min3A_248 = arith.constant true
    %reduce_min3A_249 = vector.broadcast %reduce_min3A_248 : i1 to vector<16xi1>
    %reduce_min3A_250 = tpu.scan <min>, %select_n3A_247 masked %reduce_min3A_249 : vector<16xf32>, vector<16xi1> -> vector<16xf32>
    %reduce_min3A_251 = vector.extract %reduce_min3A_250[15] : f32 from vector<16xf32>
    %not3A_252 = arith.constant dense<true> : vector<16xi1>
    %not3A_253 = arith.xori %or3A_232, %not3A_252 : vector<16xi1>
    %broadcast_in_dim3A_254 = vector.broadcast %reduce_min3A_251 : f32 to vector<16xf32>
    %eq3A_255 = arith.cmpf oeq, %select_n3A_247, %broadcast_in_dim3A_254 : vector<16xf32>
    %and3A_256 = arith.andi %not3A_253, %eq3A_255 : vector<16xi1>
    %broadcast_in_dim3A_257 = arith.constant 16 : i32
    %broadcast_in_dim3A_258 = vector.broadcast %broadcast_in_dim3A_257 : i32 to vector<16xi32>
    %select_n3A_259 = arith.select %and3A_256, %iota3A, %broadcast_in_dim3A_258 : vector<16xi1>, vector<16xi32>
    %reduce_min3A_260 = arith.constant true
    %reduce_min3A_261 = vector.broadcast %reduce_min3A_260 : i1 to vector<16xi1>
    %reduce_min3A_262 = arith.constant -2147483648 : i32
    %reduce_min3A_263 = vector.broadcast %reduce_min3A_262 : i32 to vector<16xi32>
    %reduce_min3A_264 = arith.xori %select_n3A_259, %reduce_min3A_263 : vector<16xi32>
    %reduce_min3A_265 = tpu.scan <min>, %reduce_min3A_264 masked %reduce_min3A_261 : vector<16xi32>, vector<16xi1> -> vector<16xi32>
    %reduce_min3A_266 = arith.xori %reduce_min3A_265, %reduce_min3A_263 : vector<16xi32>
    %reduce_min3A_267 = vector.extract %reduce_min3A_266[15] : i32 from vector<16xi32>
    %broadcast_in_dim3A_268 = vector.broadcast %reduce_min3A_267 : i32 to vector<16xi32>
    %broadcast_in_dim3A_269 = arith.constant 5 : i32
    %broadcast_in_dim3A_270 = vector.broadcast %broadcast_in_dim3A_269 : i32 to vector<16xi32>
    %eq3A_271 = arith.cmpi eq, %iota3A, %broadcast_in_dim3A_270 : vector<16xi32>
    %select_n3A_272 = arith.select %eq3A_271, %broadcast_in_dim3A_268, %select_n3A_230 : vector<16xi1>, vector<16xi32>
    %eq3A_273 = arith.cmpi eq, %iota3A, %broadcast_in_dim3A_268 : vector<16xi32>
    %or3A_274 = arith.ori %or3A_232, %eq3A_273 : vector<16xi1>
    %gather3A_275 = tpu.vector_load_idx %arg4[%iota3A, %broadcast_in_dim3A_268] : memref<19x16xf32, #tpu.memory_space<vmem>>[vector<16xi32>, vector<16xi32>], vector<16xf32>,
    %mul3A_276 = arith.mulf %gather3A_92, %gather3A_41 : vector<16xf32>
    %add3A_277 = arith.addf %get3A_6, %mul3A_276 : vector<16xf32>
    %mul3A_278 = arith.mulf %gather3A_119, %gather3A_36 : vector<16xf32>
    %add3A_279 = arith.addf %add3A_277, %mul3A_278 : vector<16xf32>
    %mul3A_280 = arith.mulf %gather3A_155, %gather3A_31 : vector<16xf32>
    %add3A_281 = arith.addf %add3A_279, %mul3A_280 : vector<16xf32>
    %mul3A_282 = arith.mulf %gather3A_193, %gather3A_26 : vector<16xf32>
    %add3A_283 = arith.addf %add3A_281, %mul3A_282 : vector<16xf32>
    %mul3A_284 = arith.mulf %gather3A_233, %gather3A_21 : vector<16xf32>
    %add3A_285 = arith.addf %add3A_283, %mul3A_284 : vector<16xf32>
    %mul3A_286 = arith.mulf %gather3A_275, %gather3A_16 : vector<16xf32>
    %add3A_287 = arith.addf %add3A_285, %mul3A_286 : vector<16xf32>
    %max3A_288 = arith.maximumf %add3A_287, %broadcast_in_dim3A_13 : vector<16xf32>
    %eq3A_289 = arith.cmpf oeq, %max3A_288, %broadcast_in_dim3A_13 : vector<16xf32>
    %select_n3A_290 = arith.select %eq3A_289, %broadcast_in_dim3A_11, %max3A_288 : vector<16xi1>, vector<16xf32>
    %select_n3A_291 = arith.select %or3A_274, %broadcast_in_dim3A_11, %select_n3A_290 : vector<16xi1>, vector<16xf32>
    %reduce_min3A_292 = arith.constant true
    %reduce_min3A_293 = vector.broadcast %reduce_min3A_292 : i1 to vector<16xi1>
    %reduce_min3A_294 = tpu.scan <min>, %select_n3A_291 masked %reduce_min3A_293 : vector<16xf32>, vector<16xi1> -> vector<16xf32>
    %reduce_min3A_295 = vector.extract %reduce_min3A_294[15] : f32 from vector<16xf32>
    %not3A_296 = arith.constant dense<true> : vector<16xi1>
    %not3A_297 = arith.xori %or3A_274, %not3A_296 : vector<16xi1>
    %broadcast_in_dim3A_298 = vector.broadcast %reduce_min3A_295 : f32 to vector<16xf32>
    %eq3A_299 = arith.cmpf oeq, %select_n3A_291, %broadcast_in_dim3A_298 : vector<16xf32>
    %and3A_300 = arith.andi %not3A_297, %eq3A_299 : vector<16xi1>
    %broadcast_in_dim3A_301 = arith.constant 16 : i32
    %broadcast_in_dim3A_302 = vector.broadcast %broadcast_in_dim3A_301 : i32 to vector<16xi32>
    %select_n3A_303 = arith.select %and3A_300, %iota3A, %broadcast_in_dim3A_302 : vector<16xi1>, vector<16xi32>
    %reduce_min3A_304 = arith.constant true
    %reduce_min3A_305 = vector.broadcast %reduce_min3A_304 : i1 to vector<16xi1>
    %reduce_min3A_306 = arith.constant -2147483648 : i32
    %reduce_min3A_307 = vector.broadcast %reduce_min3A_306 : i32 to vector<16xi32>
    %reduce_min3A_308 = arith.xori %select_n3A_303, %reduce_min3A_307 : vector<16xi32>
    %reduce_min3A_309 = tpu.scan <min>, %reduce_min3A_308 masked %reduce_min3A_305 : vector<16xi32>, vector<16xi1> -> vector<16xi32>
    %reduce_min3A_310 = arith.xori %reduce_min3A_309, %reduce_min3A_307 : vector<16xi32>
    %reduce_min3A_311 = vector.extract %reduce_min3A_310[15] : i32 from vector<16xi32>
    %broadcast_in_dim3A_312 = vector.broadcast %reduce_min3A_311 : i32 to vector<16xi32>
    %broadcast_in_dim3A_313 = arith.constant 6 : i32
    %broadcast_in_dim3A_314 = vector.broadcast %broadcast_in_dim3A_313 : i32 to vector<16xi32>
    %eq3A_315 = arith.cmpi eq, %iota3A, %broadcast_in_dim3A_314 : vector<16xi32>
    %select_n3A_316 = arith.select %eq3A_315, %broadcast_in_dim3A_312, %select_n3A_272 : vector<16xi1>, vector<16xi32>
    %eq3A_317 = arith.cmpi eq, %iota3A, %broadcast_in_dim3A_312 : vector<16xi32>
    %or3A_318 = arith.ori %or3A_274, %eq3A_317 : vector<16xi1>
    %gather3A_319 = tpu.vector_load_idx %arg4[%iota3A, %broadcast_in_dim3A_312] : memref<19x16xf32, #tpu.memory_space<vmem>>[vector<16xi32>, vector<16xi32>], vector<16xf32>,
    %mul3A_320 = arith.mulf %gather3A_92, %gather3A_46 : vector<16xf32>
    %add3A_321 = arith.addf %get3A_6, %mul3A_320 : vector<16xf32>
    %mul3A_322 = arith.mulf %gather3A_119, %gather3A_41 : vector<16xf32>
    %add3A_323 = arith.addf %add3A_321, %mul3A_322 : vector<16xf32>
    %mul3A_324 = arith.mulf %gather3A_155, %gather3A_36 : vector<16xf32>
    %add3A_325 = arith.addf %add3A_323, %mul3A_324 : vector<16xf32>
    %mul3A_326 = arith.mulf %gather3A_193, %gather3A_31 : vector<16xf32>
    %add3A_327 = arith.addf %add3A_325, %mul3A_326 : vector<16xf32>
    %mul3A_328 = arith.mulf %gather3A_233, %gather3A_26 : vector<16xf32>
    %add3A_329 = arith.addf %add3A_327, %mul3A_328 : vector<16xf32>
    %mul3A_330 = arith.mulf %gather3A_275, %gather3A_21 : vector<16xf32>
    %add3A_331 = arith.addf %add3A_329, %mul3A_330 : vector<16xf32>
    %mul3A_332 = arith.mulf %gather3A_319, %gather3A_16 : vector<16xf32>
    %add3A_333 = arith.addf %add3A_331, %mul3A_332 : vector<16xf32>
    %max3A_334 = arith.maximumf %add3A_333, %broadcast_in_dim3A_13 : vector<16xf32>
    %eq3A_335 = arith.cmpf oeq, %max3A_334, %broadcast_in_dim3A_13 : vector<16xf32>
    %select_n3A_336 = arith.select %eq3A_335, %broadcast_in_dim3A_11, %max3A_334 : vector<16xi1>, vector<16xf32>
    %select_n3A_337 = arith.select %or3A_318, %broadcast_in_dim3A_11, %select_n3A_336 : vector<16xi1>, vector<16xf32>
    %reduce_min3A_338 = arith.constant true
    %reduce_min3A_339 = vector.broadcast %reduce_min3A_338 : i1 to vector<16xi1>
    %reduce_min3A_340 = tpu.scan <min>, %select_n3A_337 masked %reduce_min3A_339 : vector<16xf32>, vector<16xi1> -> vector<16xf32>
    %reduce_min3A_341 = vector.extract %reduce_min3A_340[15] : f32 from vector<16xf32>
    %not3A_342 = arith.constant dense<true> : vector<16xi1>
    %not3A_343 = arith.xori %or3A_318, %not3A_342 : vector<16xi1>
    %broadcast_in_dim3A_344 = vector.broadcast %reduce_min3A_341 : f32 to vector<16xf32>
    %eq3A_345 = arith.cmpf oeq, %select_n3A_337, %broadcast_in_dim3A_344 : vector<16xf32>
    %and3A_346 = arith.andi %not3A_343, %eq3A_345 : vector<16xi1>
    %broadcast_in_dim3A_347 = arith.constant 16 : i32
    %broadcast_in_dim3A_348 = vector.broadcast %broadcast_in_dim3A_347 : i32 to vector<16xi32>
    %select_n3A_349 = arith.select %and3A_346, %iota3A, %broadcast_in_dim3A_348 : vector<16xi1>, vector<16xi32>
    %reduce_min3A_350 = arith.constant true
    %reduce_min3A_351 = vector.broadcast %reduce_min3A_350 : i1 to vector<16xi1>
    %reduce_min3A_352 = arith.constant -2147483648 : i32
    %reduce_min3A_353 = vector.broadcast %reduce_min3A_352 : i32 to vector<16xi32>
    %reduce_min3A_354 = arith.xori %select_n3A_349, %reduce_min3A_353 : vector<16xi32>
    %reduce_min3A_355 = tpu.scan <min>, %reduce_min3A_354 masked %reduce_min3A_351 : vector<16xi32>, vector<16xi1> -> vector<16xi32>
    %reduce_min3A_356 = arith.xori %reduce_min3A_355, %reduce_min3A_353 : vector<16xi32>
    %reduce_min3A_357 = vector.extract %reduce_min3A_356[15] : i32 from vector<16xi32>
    %broadcast_in_dim3A_358 = vector.broadcast %reduce_min3A_357 : i32 to vector<16xi32>
    %broadcast_in_dim3A_359 = arith.constant 7 : i32
    %broadcast_in_dim3A_360 = vector.broadcast %broadcast_in_dim3A_359 : i32 to vector<16xi32>
    %eq3A_361 = arith.cmpi eq, %iota3A, %broadcast_in_dim3A_360 : vector<16xi32>
    %select_n3A_362 = arith.select %eq3A_361, %broadcast_in_dim3A_358, %select_n3A_316 : vector<16xi1>, vector<16xi32>
    %eq3A_363 = arith.cmpi eq, %iota3A, %broadcast_in_dim3A_358 : vector<16xi32>
    %or3A_364 = arith.ori %or3A_318, %eq3A_363 : vector<16xi1>
    %gather3A_365 = tpu.vector_load_idx %arg4[%iota3A, %broadcast_in_dim3A_358] : memref<19x16xf32, #tpu.memory_space<vmem>>[vector<16xi32>, vector<16xi32>], vector<16xf32>,
    %mul3A_366 = arith.mulf %gather3A_92, %gather3A_51 : vector<16xf32>
    %add3A_367 = arith.addf %get3A_6, %mul3A_366 : vector<16xf32>
    %mul3A_368 = arith.mulf %gather3A_119, %gather3A_46 : vector<16xf32>
    %add3A_369 = arith.addf %add3A_367, %mul3A_368 : vector<16xf32>
    %mul3A_370 = arith.mulf %gather3A_155, %gather3A_41 : vector<16xf32>
    %add3A_371 = arith.addf %add3A_369, %mul3A_370 : vector<16xf32>
    %mul3A_372 = arith.mulf %gather3A_193, %gather3A_36 : vector<16xf32>
    %add3A_373 = arith.addf %add3A_371, %mul3A_372 : vector<16xf32>
    %mul3A_374 = arith.mulf %gather3A_233, %gather3A_31 : vector<16xf32>
    %add3A_375 = arith.addf %add3A_373, %mul3A_374 : vector<16xf32>
    %mul3A_376 = arith.mulf %gather3A_275, %gather3A_26 : vector<16xf32>
    %add3A_377 = arith.addf %add3A_375, %mul3A_376 : vector<16xf32>
    %mul3A_378 = arith.mulf %gather3A_319, %gather3A_21 : vector<16xf32>
    %add3A_379 = arith.addf %add3A_377, %mul3A_378 : vector<16xf32>
    %mul3A_380 = arith.mulf %gather3A_365, %gather3A_16 : vector<16xf32>
    %add3A_381 = arith.addf %add3A_379, %mul3A_380 : vector<16xf32>
    %max3A_382 = arith.maximumf %add3A_381, %broadcast_in_dim3A_13 : vector<16xf32>
    %eq3A_383 = arith.cmpf oeq, %max3A_382, %broadcast_in_dim3A_13 : vector<16xf32>
    %select_n3A_384 = arith.select %eq3A_383, %broadcast_in_dim3A_11, %max3A_382 : vector<16xi1>, vector<16xf32>
    %select_n3A_385 = arith.select %or3A_364, %broadcast_in_dim3A_11, %select_n3A_384 : vector<16xi1>, vector<16xf32>
    %reduce_min3A_386 = arith.constant true
    %reduce_min3A_387 = vector.broadcast %reduce_min3A_386 : i1 to vector<16xi1>
    %reduce_min3A_388 = tpu.scan <min>, %select_n3A_385 masked %reduce_min3A_387 : vector<16xf32>, vector<16xi1> -> vector<16xf32>
    %reduce_min3A_389 = vector.extract %reduce_min3A_388[15] : f32 from vector<16xf32>
    %not3A_390 = arith.constant dense<true> : vector<16xi1>
    %not3A_391 = arith.xori %or3A_364, %not3A_390 : vector<16xi1>
    %broadcast_in_dim3A_392 = vector.broadcast %reduce_min3A_389 : f32 to vector<16xf32>
    %eq3A_393 = arith.cmpf oeq, %select_n3A_385, %broadcast_in_dim3A_392 : vector<16xf32>
    %and3A_394 = arith.andi %not3A_391, %eq3A_393 : vector<16xi1>
    %broadcast_in_dim3A_395 = arith.constant 16 : i32
    %broadcast_in_dim3A_396 = vector.broadcast %broadcast_in_dim3A_395 : i32 to vector<16xi32>
    %select_n3A_397 = arith.select %and3A_394, %iota3A, %broadcast_in_dim3A_396 : vector<16xi1>, vector<16xi32>
    %reduce_min3A_398 = arith.constant true
    %reduce_min3A_399 = vector.broadcast %reduce_min3A_398 : i1 to vector<16xi1>
    %reduce_min3A_400 = arith.constant -2147483648 : i32
    %reduce_min3A_401 = vector.broadcast %reduce_min3A_400 : i32 to vector<16xi32>
    %reduce_min3A_402 = arith.xori %select_n3A_397, %reduce_min3A_401 : vector<16xi32>
    %reduce_min3A_403 = tpu.scan <min>, %reduce_min3A_402 masked %reduce_min3A_399 : vector<16xi32>, vector<16xi1> -> vector<16xi32>
    %reduce_min3A_404 = arith.xori %reduce_min3A_403, %reduce_min3A_401 : vector<16xi32>
    %reduce_min3A_405 = vector.extract %reduce_min3A_404[15] : i32 from vector<16xi32>
    %broadcast_in_dim3A_406 = vector.broadcast %reduce_min3A_405 : i32 to vector<16xi32>
    %broadcast_in_dim3A_407 = arith.constant 8 : i32
    %broadcast_in_dim3A_408 = vector.broadcast %broadcast_in_dim3A_407 : i32 to vector<16xi32>
    %eq3A_409 = arith.cmpi eq, %iota3A, %broadcast_in_dim3A_408 : vector<16xi32>
    %select_n3A_410 = arith.select %eq3A_409, %broadcast_in_dim3A_406, %select_n3A_362 : vector<16xi1>, vector<16xi32>
    %eq3A_411 = arith.cmpi eq, %iota3A, %broadcast_in_dim3A_406 : vector<16xi32>
    %or3A_412 = arith.ori %or3A_364, %eq3A_411 : vector<16xi1>
    %gather3A_413 = tpu.vector_load_idx %arg4[%iota3A, %broadcast_in_dim3A_406] : memref<19x16xf32, #tpu.memory_space<vmem>>[vector<16xi32>, vector<16xi32>], vector<16xf32>,
    %mul3A_414 = arith.mulf %gather3A_92, %gather3A_56 : vector<16xf32>
    %add3A_415 = arith.addf %get3A_6, %mul3A_414 : vector<16xf32>
    %mul3A_416 = arith.mulf %gather3A_119, %gather3A_51 : vector<16xf32>
    %add3A_417 = arith.addf %add3A_415, %mul3A_416 : vector<16xf32>
    %mul3A_418 = arith.mulf %gather3A_155, %gather3A_46 : vector<16xf32>
    %add3A_419 = arith.addf %add3A_417, %mul3A_418 : vector<16xf32>
    %mul3A_420 = arith.mulf %gather3A_193, %gather3A_41 : vector<16xf32>
    %add3A_421 = arith.addf %add3A_419, %mul3A_420 : vector<16xf32>
    %mul3A_422 = arith.mulf %gather3A_233, %gather3A_36 : vector<16xf32>
    %add3A_423 = arith.addf %add3A_421, %mul3A_422 : vector<16xf32>
    %mul3A_424 = arith.mulf %gather3A_275, %gather3A_31 : vector<16xf32>
    %add3A_425 = arith.addf %add3A_423, %mul3A_424 : vector<16xf32>
    %mul3A_426 = arith.mulf %gather3A_319, %gather3A_26 : vector<16xf32>
    %add3A_427 = arith.addf %add3A_425, %mul3A_426 : vector<16xf32>
    %mul3A_428 = arith.mulf %gather3A_365, %gather3A_21 : vector<16xf32>
    %add3A_429 = arith.addf %add3A_427, %mul3A_428 : vector<16xf32>
    %mul3A_430 = arith.mulf %gather3A_413, %gather3A_16 : vector<16xf32>
    %add3A_431 = arith.addf %add3A_429, %mul3A_430 : vector<16xf32>
    %max3A_432 = arith.maximumf %add3A_431, %broadcast_in_dim3A_13 : vector<16xf32>
    %eq3A_433 = arith.cmpf oeq, %max3A_432, %broadcast_in_dim3A_13 : vector<16xf32>
    %select_n3A_434 = arith.select %eq3A_433, %broadcast_in_dim3A_11, %max3A_432 : vector<16xi1>, vector<16xf32>
    %select_n3A_435 = arith.select %or3A_412, %broadcast_in_dim3A_11, %select_n3A_434 : vector<16xi1>, vector<16xf32>
    %reduce_min3A_436 = arith.constant true
    %reduce_min3A_437 = vector.broadcast %reduce_min3A_436 : i1 to vector<16xi1>
    %reduce_min3A_438 = tpu.scan <min>, %select_n3A_435 masked %reduce_min3A_437 : vector<16xf32>, vector<16xi1> -> vector<16xf32>
    %reduce_min3A_439 = vector.extract %reduce_min3A_438[15] : f32 from vector<16xf32>
    %not3A_440 = arith.constant dense<true> : vector<16xi1>
    %not3A_441 = arith.xori %or3A_412, %not3A_440 : vector<16xi1>
    %broadcast_in_dim3A_442 = vector.broadcast %reduce_min3A_439 : f32 to vector<16xf32>
    %eq3A_443 = arith.cmpf oeq, %select_n3A_435, %broadcast_in_dim3A_442 : vector<16xf32>
    %and3A_444 = arith.andi %not3A_441, %eq3A_443 : vector<16xi1>
    %broadcast_in_dim3A_445 = arith.constant 16 : i32
    %broadcast_in_dim3A_446 = vector.broadcast %broadcast_in_dim3A_445 : i32 to vector<16xi32>
    %select_n3A_447 = arith.select %and3A_444, %iota3A, %broadcast_in_dim3A_446 : vector<16xi1>, vector<16xi32>
    %reduce_min3A_448 = arith.constant true
    %reduce_min3A_449 = vector.broadcast %reduce_min3A_448 : i1 to vector<16xi1>
    %reduce_min3A_450 = arith.constant -2147483648 : i32
    %reduce_min3A_451 = vector.broadcast %reduce_min3A_450 : i32 to vector<16xi32>
    %reduce_min3A_452 = arith.xori %select_n3A_447, %reduce_min3A_451 : vector<16xi32>
    %reduce_min3A_453 = tpu.scan <min>, %reduce_min3A_452 masked %reduce_min3A_449 : vector<16xi32>, vector<16xi1> -> vector<16xi32>
    %reduce_min3A_454 = arith.xori %reduce_min3A_453, %reduce_min3A_451 : vector<16xi32>
    %reduce_min3A_455 = vector.extract %reduce_min3A_454[15] : i32 from vector<16xi32>
    %broadcast_in_dim3A_456 = vector.broadcast %reduce_min3A_455 : i32 to vector<16xi32>
    %broadcast_in_dim3A_457 = arith.constant 9 : i32
    %broadcast_in_dim3A_458 = vector.broadcast %broadcast_in_dim3A_457 : i32 to vector<16xi32>
    %eq3A_459 = arith.cmpi eq, %iota3A, %broadcast_in_dim3A_458 : vector<16xi32>
    %select_n3A_460 = arith.select %eq3A_459, %broadcast_in_dim3A_456, %select_n3A_410 : vector<16xi1>, vector<16xi32>
    %eq3A_461 = arith.cmpi eq, %iota3A, %broadcast_in_dim3A_456 : vector<16xi32>
    %or3A_462 = arith.ori %or3A_412, %eq3A_461 : vector<16xi1>
    %gather3A_463 = tpu.vector_load_idx %arg4[%iota3A, %broadcast_in_dim3A_456] : memref<19x16xf32, #tpu.memory_space<vmem>>[vector<16xi32>, vector<16xi32>], vector<16xf32>,
    %mul3A_464 = arith.mulf %gather3A_92, %gather3A_61 : vector<16xf32>
    %add3A_465 = arith.addf %get3A_6, %mul3A_464 : vector<16xf32>
    %mul3A_466 = arith.mulf %gather3A_119, %gather3A_56 : vector<16xf32>
    %add3A_467 = arith.addf %add3A_465, %mul3A_466 : vector<16xf32>
    %mul3A_468 = arith.mulf %gather3A_155, %gather3A_51 : vector<16xf32>
    %add3A_469 = arith.addf %add3A_467, %mul3A_468 : vector<16xf32>
    %mul3A_470 = arith.mulf %gather3A_193, %gather3A_46 : vector<16xf32>
    %add3A_471 = arith.addf %add3A_469, %mul3A_470 : vector<16xf32>
    %mul3A_472 = arith.mulf %gather3A_233, %gather3A_41 : vector<16xf32>
    %add3A_473 = arith.addf %add3A_471, %mul3A_472 : vector<16xf32>
    %mul3A_474 = arith.mulf %gather3A_275, %gather3A_36 : vector<16xf32>
    %add3A_475 = arith.addf %add3A_473, %mul3A_474 : vector<16xf32>
    %mul3A_476 = arith.mulf %gather3A_319, %gather3A_31 : vector<16xf32>
    %add3A_477 = arith.addf %add3A_475, %mul3A_476 : vector<16xf32>
    %mul3A_478 = arith.mulf %gather3A_365, %gather3A_26 : vector<16xf32>
    %add3A_479 = arith.addf %add3A_477, %mul3A_478 : vector<16xf32>
    %mul3A_480 = arith.mulf %gather3A_413, %gather3A_21 : vector<16xf32>
    %add3A_481 = arith.addf %add3A_479, %mul3A_480 : vector<16xf32>
    %mul3A_482 = arith.mulf %gather3A_463, %gather3A_16 : vector<16xf32>
    %add3A_483 = arith.addf %add3A_481, %mul3A_482 : vector<16xf32>
    %max3A_484 = arith.maximumf %add3A_483, %broadcast_in_dim3A_13 : vector<16xf32>
    %eq3A_485 = arith.cmpf oeq, %max3A_484, %broadcast_in_dim3A_13 : vector<16xf32>
    %select_n3A_486 = arith.select %eq3A_485, %broadcast_in_dim3A_11, %max3A_484 : vector<16xi1>, vector<16xf32>
    %select_n3A_487 = arith.select %or3A_462, %broadcast_in_dim3A_11, %select_n3A_486 : vector<16xi1>, vector<16xf32>
    %reduce_min3A_488 = arith.constant true
    %reduce_min3A_489 = vector.broadcast %reduce_min3A_488 : i1 to vector<16xi1>
    %reduce_min3A_490 = tpu.scan <min>, %select_n3A_487 masked %reduce_min3A_489 : vector<16xf32>, vector<16xi1> -> vector<16xf32>
    %reduce_min3A_491 = vector.extract %reduce_min3A_490[15] : f32 from vector<16xf32>
    %not3A_492 = arith.constant dense<true> : vector<16xi1>
    %not3A_493 = arith.xori %or3A_462, %not3A_492 : vector<16xi1>
    %broadcast_in_dim3A_494 = vector.broadcast %reduce_min3A_491 : f32 to vector<16xf32>
    %eq3A_495 = arith.cmpf oeq, %select_n3A_487, %broadcast_in_dim3A_494 : vector<16xf32>
    %and3A_496 = arith.andi %not3A_493, %eq3A_495 : vector<16xi1>
    %broadcast_in_dim3A_497 = arith.constant 16 : i32
    %broadcast_in_dim3A_498 = vector.broadcast %broadcast_in_dim3A_497 : i32 to vector<16xi32>
    %select_n3A_499 = arith.select %and3A_496, %iota3A, %broadcast_in_dim3A_498 : vector<16xi1>, vector<16xi32>
    %reduce_min3A_500 = arith.constant true
    %reduce_min3A_501 = vector.broadcast %reduce_min3A_500 : i1 to vector<16xi1>
    %reduce_min3A_502 = arith.constant -2147483648 : i32
    %reduce_min3A_503 = vector.broadcast %reduce_min3A_502 : i32 to vector<16xi32>
    %reduce_min3A_504 = arith.xori %select_n3A_499, %reduce_min3A_503 : vector<16xi32>
    %reduce_min3A_505 = tpu.scan <min>, %reduce_min3A_504 masked %reduce_min3A_501 : vector<16xi32>, vector<16xi1> -> vector<16xi32>
    %reduce_min3A_506 = arith.xori %reduce_min3A_505, %reduce_min3A_503 : vector<16xi32>
    %reduce_min3A_507 = vector.extract %reduce_min3A_506[15] : i32 from vector<16xi32>
    %broadcast_in_dim3A_508 = vector.broadcast %reduce_min3A_507 : i32 to vector<16xi32>
    %broadcast_in_dim3A_509 = arith.constant 10 : i32
    %broadcast_in_dim3A_510 = vector.broadcast %broadcast_in_dim3A_509 : i32 to vector<16xi32>
    %eq3A_511 = arith.cmpi eq, %iota3A, %broadcast_in_dim3A_510 : vector<16xi32>
    %select_n3A_512 = arith.select %eq3A_511, %broadcast_in_dim3A_508, %select_n3A_460 : vector<16xi1>, vector<16xi32>
    %eq3A_513 = arith.cmpi eq, %iota3A, %broadcast_in_dim3A_508 : vector<16xi32>
    %or3A_514 = arith.ori %or3A_462, %eq3A_513 : vector<16xi1>
    %gather3A_515 = tpu.vector_load_idx %arg4[%iota3A, %broadcast_in_dim3A_508] : memref<19x16xf32, #tpu.memory_space<vmem>>[vector<16xi32>, vector<16xi32>], vector<16xf32>,
    %mul3A_516 = arith.mulf %gather3A_92, %gather3A_66 : vector<16xf32>
    %add3A_517 = arith.addf %get3A_6, %mul3A_516 : vector<16xf32>
    %mul3A_518 = arith.mulf %gather3A_119, %gather3A_61 : vector<16xf32>
    %add3A_519 = arith.addf %add3A_517, %mul3A_518 : vector<16xf32>
    %mul3A_520 = arith.mulf %gather3A_155, %gather3A_56 : vector<16xf32>
    %add3A_521 = arith.addf %add3A_519, %mul3A_520 : vector<16xf32>
    %mul3A_522 = arith.mulf %gather3A_193, %gather3A_51 : vector<16xf32>
    %add3A_523 = arith.addf %add3A_521, %mul3A_522 : vector<16xf32>
    %mul3A_524 = arith.mulf %gather3A_233, %gather3A_46 : vector<16xf32>
    %add3A_525 = arith.addf %add3A_523, %mul3A_524 : vector<16xf32>
    %mul3A_526 = arith.mulf %gather3A_275, %gather3A_41 : vector<16xf32>
    %add3A_527 = arith.addf %add3A_525, %mul3A_526 : vector<16xf32>
    %mul3A_528 = arith.mulf %gather3A_319, %gather3A_36 : vector<16xf32>
    %add3A_529 = arith.addf %add3A_527, %mul3A_528 : vector<16xf32>
    %mul3A_530 = arith.mulf %gather3A_365, %gather3A_31 : vector<16xf32>
    %add3A_531 = arith.addf %add3A_529, %mul3A_530 : vector<16xf32>
    %mul3A_532 = arith.mulf %gather3A_413, %gather3A_26 : vector<16xf32>
    %add3A_533 = arith.addf %add3A_531, %mul3A_532 : vector<16xf32>
    %mul3A_534 = arith.mulf %gather3A_463, %gather3A_21 : vector<16xf32>
    %add3A_535 = arith.addf %add3A_533, %mul3A_534 : vector<16xf32>
    %mul3A_536 = arith.mulf %gather3A_515, %gather3A_16 : vector<16xf32>
    %add3A_537 = arith.addf %add3A_535, %mul3A_536 : vector<16xf32>
    %max3A_538 = arith.maximumf %add3A_537, %broadcast_in_dim3A_13 : vector<16xf32>
    %eq3A_539 = arith.cmpf oeq, %max3A_538, %broadcast_in_dim3A_13 : vector<16xf32>
    %select_n3A_540 = arith.select %eq3A_539, %broadcast_in_dim3A_11, %max3A_538 : vector<16xi1>, vector<16xf32>
    %select_n3A_541 = arith.select %or3A_514, %broadcast_in_dim3A_11, %select_n3A_540 : vector<16xi1>, vector<16xf32>
    %reduce_min3A_542 = arith.constant true
    %reduce_min3A_543 = vector.broadcast %reduce_min3A_542 : i1 to vector<16xi1>
    %reduce_min3A_544 = tpu.scan <min>, %select_n3A_541 masked %reduce_min3A_543 : vector<16xf32>, vector<16xi1> -> vector<16xf32>
    %reduce_min3A_545 = vector.extract %reduce_min3A_544[15] : f32 from vector<16xf32>
    %not3A_546 = arith.constant dense<true> : vector<16xi1>
    %not3A_547 = arith.xori %or3A_514, %not3A_546 : vector<16xi1>
    %broadcast_in_dim3A_548 = vector.broadcast %reduce_min3A_545 : f32 to vector<16xf32>
    %eq3A_549 = arith.cmpf oeq, %select_n3A_541, %broadcast_in_dim3A_548 : vector<16xf32>
    %and3A_550 = arith.andi %not3A_547, %eq3A_549 : vector<16xi1>
    %broadcast_in_dim3A_551 = arith.constant 16 : i32
    %broadcast_in_dim3A_552 = vector.broadcast %broadcast_in_dim3A_551 : i32 to vector<16xi32>
    %select_n3A_553 = arith.select %and3A_550, %iota3A, %broadcast_in_dim3A_552 : vector<16xi1>, vector<16xi32>
    %reduce_min3A_554 = arith.constant true
    %reduce_min3A_555 = vector.broadcast %reduce_min3A_554 : i1 to vector<16xi1>
    %reduce_min3A_556 = arith.constant -2147483648 : i32
    %reduce_min3A_557 = vector.broadcast %reduce_min3A_556 : i32 to vector<16xi32>
    %reduce_min3A_558 = arith.xori %select_n3A_553, %reduce_min3A_557 : vector<16xi32>
    %reduce_min3A_559 = tpu.scan <min>, %reduce_min3A_558 masked %reduce_min3A_555 : vector<16xi32>, vector<16xi1> -> vector<16xi32>
    %reduce_min3A_560 = arith.xori %reduce_min3A_559, %reduce_min3A_557 : vector<16xi32>
    %reduce_min3A_561 = vector.extract %reduce_min3A_560[15] : i32 from vector<16xi32>
    %broadcast_in_dim3A_562 = vector.broadcast %reduce_min3A_561 : i32 to vector<16xi32>
    %broadcast_in_dim3A_563 = arith.constant 11 : i32
    %broadcast_in_dim3A_564 = vector.broadcast %broadcast_in_dim3A_563 : i32 to vector<16xi32>
    %eq3A_565 = arith.cmpi eq, %iota3A, %broadcast_in_dim3A_564 : vector<16xi32>
    %select_n3A_566 = arith.select %eq3A_565, %broadcast_in_dim3A_562, %select_n3A_512 : vector<16xi1>, vector<16xi32>
    %eq3A_567 = arith.cmpi eq, %iota3A, %broadcast_in_dim3A_562 : vector<16xi32>
    %or3A_568 = arith.ori %or3A_514, %eq3A_567 : vector<16xi1>
    %gather3A_569 = tpu.vector_load_idx %arg4[%iota3A, %broadcast_in_dim3A_562] : memref<19x16xf32, #tpu.memory_space<vmem>>[vector<16xi32>, vector<16xi32>], vector<16xf32>,
    %mul3A_570 = arith.mulf %gather3A_92, %gather3A_71 : vector<16xf32>
    %add3A_571 = arith.addf %get3A_6, %mul3A_570 : vector<16xf32>
    %mul3A_572 = arith.mulf %gather3A_119, %gather3A_66 : vector<16xf32>
    %add3A_573 = arith.addf %add3A_571, %mul3A_572 : vector<16xf32>
    %mul3A_574 = arith.mulf %gather3A_155, %gather3A_61 : vector<16xf32>
    %add3A_575 = arith.addf %add3A_573, %mul3A_574 : vector<16xf32>
    %mul3A_576 = arith.mulf %gather3A_193, %gather3A_56 : vector<16xf32>
    %add3A_577 = arith.addf %add3A_575, %mul3A_576 : vector<16xf32>
    %mul3A_578 = arith.mulf %gather3A_233, %gather3A_51 : vector<16xf32>
    %add3A_579 = arith.addf %add3A_577, %mul3A_578 : vector<16xf32>
    %mul3A_580 = arith.mulf %gather3A_275, %gather3A_46 : vector<16xf32>
    %add3A_581 = arith.addf %add3A_579, %mul3A_580 : vector<16xf32>
    %mul3A_582 = arith.mulf %gather3A_319, %gather3A_41 : vector<16xf32>
    %add3A_583 = arith.addf %add3A_581, %mul3A_582 : vector<16xf32>
    %mul3A_584 = arith.mulf %gather3A_365, %gather3A_36 : vector<16xf32>
    %add3A_585 = arith.addf %add3A_583, %mul3A_584 : vector<16xf32>
    %mul3A_586 = arith.mulf %gather3A_413, %gather3A_31 : vector<16xf32>
    %add3A_587 = arith.addf %add3A_585, %mul3A_586 : vector<16xf32>
    %mul3A_588 = arith.mulf %gather3A_463, %gather3A_26 : vector<16xf32>
    %add3A_589 = arith.addf %add3A_587, %mul3A_588 : vector<16xf32>
    %mul3A_590 = arith.mulf %gather3A_515, %gather3A_21 : vector<16xf32>
    %add3A_591 = arith.addf %add3A_589, %mul3A_590 : vector<16xf32>
    %mul3A_592 = arith.mulf %gather3A_569, %gather3A_16 : vector<16xf32>
    %add3A_593 = arith.addf %add3A_591, %mul3A_592 : vector<16xf32>
    %max3A_594 = arith.maximumf %add3A_593, %broadcast_in_dim3A_13 : vector<16xf32>
    %eq3A_595 = arith.cmpf oeq, %max3A_594, %broadcast_in_dim3A_13 : vector<16xf32>
    %select_n3A_596 = arith.select %eq3A_595, %broadcast_in_dim3A_11, %max3A_594 : vector<16xi1>, vector<16xf32>
    %select_n3A_597 = arith.select %or3A_568, %broadcast_in_dim3A_11, %select_n3A_596 : vector<16xi1>, vector<16xf32>
    %reduce_min3A_598 = arith.constant true
    %reduce_min3A_599 = vector.broadcast %reduce_min3A_598 : i1 to vector<16xi1>
    %reduce_min3A_600 = tpu.scan <min>, %select_n3A_597 masked %reduce_min3A_599 : vector<16xf32>, vector<16xi1> -> vector<16xf32>
    %reduce_min3A_601 = vector.extract %reduce_min3A_600[15] : f32 from vector<16xf32>
    %not3A_602 = arith.constant dense<true> : vector<16xi1>
    %not3A_603 = arith.xori %or3A_568, %not3A_602 : vector<16xi1>
    %broadcast_in_dim3A_604 = vector.broadcast %reduce_min3A_601 : f32 to vector<16xf32>
    %eq3A_605 = arith.cmpf oeq, %select_n3A_597, %broadcast_in_dim3A_604 : vector<16xf32>
    %and3A_606 = arith.andi %not3A_603, %eq3A_605 : vector<16xi1>
    %broadcast_in_dim3A_607 = arith.constant 16 : i32
    %broadcast_in_dim3A_608 = vector.broadcast %broadcast_in_dim3A_607 : i32 to vector<16xi32>
    %select_n3A_609 = arith.select %and3A_606, %iota3A, %broadcast_in_dim3A_608 : vector<16xi1>, vector<16xi32>
    %reduce_min3A_610 = arith.constant true
    %reduce_min3A_611 = vector.broadcast %reduce_min3A_610 : i1 to vector<16xi1>
    %reduce_min3A_612 = arith.constant -2147483648 : i32
    %reduce_min3A_613 = vector.broadcast %reduce_min3A_612 : i32 to vector<16xi32>
    %reduce_min3A_614 = arith.xori %select_n3A_609, %reduce_min3A_613 : vector<16xi32>
    %reduce_min3A_615 = tpu.scan <min>, %reduce_min3A_614 masked %reduce_min3A_611 : vector<16xi32>, vector<16xi1> -> vector<16xi32>
    %reduce_min3A_616 = arith.xori %reduce_min3A_615, %reduce_min3A_613 : vector<16xi32>
    %reduce_min3A_617 = vector.extract %reduce_min3A_616[15] : i32 from vector<16xi32>
    %broadcast_in_dim3A_618 = vector.broadcast %reduce_min3A_617 : i32 to vector<16xi32>
    %broadcast_in_dim3A_619 = arith.constant 12 : i32
    %broadcast_in_dim3A_620 = vector.broadcast %broadcast_in_dim3A_619 : i32 to vector<16xi32>
    %eq3A_621 = arith.cmpi eq, %iota3A, %broadcast_in_dim3A_620 : vector<16xi32>
    %select_n3A_622 = arith.select %eq3A_621, %broadcast_in_dim3A_618, %select_n3A_566 : vector<16xi1>, vector<16xi32>
    %eq3A_623 = arith.cmpi eq, %iota3A, %broadcast_in_dim3A_618 : vector<16xi32>
    %or3A_624 = arith.ori %or3A_568, %eq3A_623 : vector<16xi1>
    %gather3A_625 = tpu.vector_load_idx %arg4[%iota3A, %broadcast_in_dim3A_618] : memref<19x16xf32, #tpu.memory_space<vmem>>[vector<16xi32>, vector<16xi32>], vector<16xf32>,
    %mul3A_626 = arith.mulf %gather3A_92, %gather3A_76 : vector<16xf32>
    %add3A_627 = arith.addf %get3A_6, %mul3A_626 : vector<16xf32>
    %mul3A_628 = arith.mulf %gather3A_119, %gather3A_71 : vector<16xf32>
    %add3A_629 = arith.addf %add3A_627, %mul3A_628 : vector<16xf32>
    %mul3A_630 = arith.mulf %gather3A_155, %gather3A_66 : vector<16xf32>
    %add3A_631 = arith.addf %add3A_629, %mul3A_630 : vector<16xf32>
    %mul3A_632 = arith.mulf %gather3A_193, %gather3A_61 : vector<16xf32>
    %add3A_633 = arith.addf %add3A_631, %mul3A_632 : vector<16xf32>
    %mul3A_634 = arith.mulf %gather3A_233, %gather3A_56 : vector<16xf32>
    %add3A_635 = arith.addf %add3A_633, %mul3A_634 : vector<16xf32>
    %mul3A_636 = arith.mulf %gather3A_275, %gather3A_51 : vector<16xf32>
    %add3A_637 = arith.addf %add3A_635, %mul3A_636 : vector<16xf32>
    %mul3A_638 = arith.mulf %gather3A_319, %gather3A_46 : vector<16xf32>
    %add3A_639 = arith.addf %add3A_637, %mul3A_638 : vector<16xf32>
    %mul3A_640 = arith.mulf %gather3A_365, %gather3A_41 : vector<16xf32>
    %add3A_641 = arith.addf %add3A_639, %mul3A_640 : vector<16xf32>
    %mul3A_642 = arith.mulf %gather3A_413, %gather3A_36 : vector<16xf32>
    %add3A_643 = arith.addf %add3A_641, %mul3A_642 : vector<16xf32>
    %mul3A_644 = arith.mulf %gather3A_463, %gather3A_31 : vector<16xf32>
    %add3A_645 = arith.addf %add3A_643, %mul3A_644 : vector<16xf32>
    %mul3A_646 = arith.mulf %gather3A_515, %gather3A_26 : vector<16xf32>
    %add3A_647 = arith.addf %add3A_645, %mul3A_646 : vector<16xf32>
    %mul3A_648 = arith.mulf %gather3A_569, %gather3A_21 : vector<16xf32>
    %add3A_649 = arith.addf %add3A_647, %mul3A_648 : vector<16xf32>
    %mul3A_650 = arith.mulf %gather3A_625, %gather3A_16 : vector<16xf32>
    %add3A_651 = arith.addf %add3A_649, %mul3A_650 : vector<16xf32>
    %max3A_652 = arith.maximumf %add3A_651, %broadcast_in_dim3A_13 : vector<16xf32>
    %eq3A_653 = arith.cmpf oeq, %max3A_652, %broadcast_in_dim3A_13 : vector<16xf32>
    %select_n3A_654 = arith.select %eq3A_653, %broadcast_in_dim3A_11, %max3A_652 : vector<16xi1>, vector<16xf32>
    %select_n3A_655 = arith.select %or3A_624, %broadcast_in_dim3A_11, %select_n3A_654 : vector<16xi1>, vector<16xf32>
    %reduce_min3A_656 = arith.constant true
    %reduce_min3A_657 = vector.broadcast %reduce_min3A_656 : i1 to vector<16xi1>
    %reduce_min3A_658 = tpu.scan <min>, %select_n3A_655 masked %reduce_min3A_657 : vector<16xf32>, vector<16xi1> -> vector<16xf32>
    %reduce_min3A_659 = vector.extract %reduce_min3A_658[15] : f32 from vector<16xf32>
    %not3A_660 = arith.constant dense<true> : vector<16xi1>
    %not3A_661 = arith.xori %or3A_624, %not3A_660 : vector<16xi1>
    %broadcast_in_dim3A_662 = vector.broadcast %reduce_min3A_659 : f32 to vector<16xf32>
    %eq3A_663 = arith.cmpf oeq, %select_n3A_655, %broadcast_in_dim3A_662 : vector<16xf32>
    %and3A_664 = arith.andi %not3A_661, %eq3A_663 : vector<16xi1>
    %broadcast_in_dim3A_665 = arith.constant 16 : i32
    %broadcast_in_dim3A_666 = vector.broadcast %broadcast_in_dim3A_665 : i32 to vector<16xi32>
    %select_n3A_667 = arith.select %and3A_664, %iota3A, %broadcast_in_dim3A_666 : vector<16xi1>, vector<16xi32>
    %reduce_min3A_668 = arith.constant true
    %reduce_min3A_669 = vector.broadcast %reduce_min3A_668 : i1 to vector<16xi1>
    %reduce_min3A_670 = arith.constant -2147483648 : i32
    %reduce_min3A_671 = vector.broadcast %reduce_min3A_670 : i32 to vector<16xi32>
    %reduce_min3A_672 = arith.xori %select_n3A_667, %reduce_min3A_671 : vector<16xi32>
    %reduce_min3A_673 = tpu.scan <min>, %reduce_min3A_672 masked %reduce_min3A_669 : vector<16xi32>, vector<16xi1> -> vector<16xi32>
    %reduce_min3A_674 = arith.xori %reduce_min3A_673, %reduce_min3A_671 : vector<16xi32>
    %reduce_min3A_675 = vector.extract %reduce_min3A_674[15] : i32 from vector<16xi32>
    %broadcast_in_dim3A_676 = vector.broadcast %reduce_min3A_675 : i32 to vector<16xi32>
    %broadcast_in_dim3A_677 = arith.constant 13 : i32
    %broadcast_in_dim3A_678 = vector.broadcast %broadcast_in_dim3A_677 : i32 to vector<16xi32>
    %eq3A_679 = arith.cmpi eq, %iota3A, %broadcast_in_dim3A_678 : vector<16xi32>
    %select_n3A_680 = arith.select %eq3A_679, %broadcast_in_dim3A_676, %select_n3A_622 : vector<16xi1>, vector<16xi32>
    %eq3A_681 = arith.cmpi eq, %iota3A, %broadcast_in_dim3A_676 : vector<16xi32>
    %or3A_682 = arith.ori %or3A_624, %eq3A_681 : vector<16xi1>
    %gather3A_683 = tpu.vector_load_idx %arg4[%iota3A, %broadcast_in_dim3A_676] : memref<19x16xf32, #tpu.memory_space<vmem>>[vector<16xi32>, vector<16xi32>], vector<16xf32>,
    %mul3A_684 = arith.mulf %gather3A_92, %gather3A_81 : vector<16xf32>
    %add3A_685 = arith.addf %get3A_6, %mul3A_684 : vector<16xf32>
    %mul3A_686 = arith.mulf %gather3A_119, %gather3A_76 : vector<16xf32>
    %add3A_687 = arith.addf %add3A_685, %mul3A_686 : vector<16xf32>
    %mul3A_688 = arith.mulf %gather3A_155, %gather3A_71 : vector<16xf32>
    %add3A_689 = arith.addf %add3A_687, %mul3A_688 : vector<16xf32>
    %mul3A_690 = arith.mulf %gather3A_193, %gather3A_66 : vector<16xf32>
    %add3A_691 = arith.addf %add3A_689, %mul3A_690 : vector<16xf32>
    %mul3A_692 = arith.mulf %gather3A_233, %gather3A_61 : vector<16xf32>
    %add3A_693 = arith.addf %add3A_691, %mul3A_692 : vector<16xf32>
    %mul3A_694 = arith.mulf %gather3A_275, %gather3A_56 : vector<16xf32>
    %add3A_695 = arith.addf %add3A_693, %mul3A_694 : vector<16xf32>
    %mul3A_696 = arith.mulf %gather3A_319, %gather3A_51 : vector<16xf32>
    %add3A_697 = arith.addf %add3A_695, %mul3A_696 : vector<16xf32>
    %mul3A_698 = arith.mulf %gather3A_365, %gather3A_46 : vector<16xf32>
    %add3A_699 = arith.addf %add3A_697, %mul3A_698 : vector<16xf32>
    %mul3A_700 = arith.mulf %gather3A_413, %gather3A_41 : vector<16xf32>
    %add3A_701 = arith.addf %add3A_699, %mul3A_700 : vector<16xf32>
    %mul3A_702 = arith.mulf %gather3A_463, %gather3A_36 : vector<16xf32>
    %add3A_703 = arith.addf %add3A_701, %mul3A_702 : vector<16xf32>
    %mul3A_704 = arith.mulf %gather3A_515, %gather3A_31 : vector<16xf32>
    %add3A_705 = arith.addf %add3A_703, %mul3A_704 : vector<16xf32>
    %mul3A_706 = arith.mulf %gather3A_569, %gather3A_26 : vector<16xf32>
    %add3A_707 = arith.addf %add3A_705, %mul3A_706 : vector<16xf32>
    %mul3A_708 = arith.mulf %gather3A_625, %gather3A_21 : vector<16xf32>
    %add3A_709 = arith.addf %add3A_707, %mul3A_708 : vector<16xf32>
    %mul3A_710 = arith.mulf %gather3A_683, %gather3A_16 : vector<16xf32>
    %add3A_711 = arith.addf %add3A_709, %mul3A_710 : vector<16xf32>
    %max3A_712 = arith.maximumf %add3A_711, %broadcast_in_dim3A_13 : vector<16xf32>
    %eq3A_713 = arith.cmpf oeq, %max3A_712, %broadcast_in_dim3A_13 : vector<16xf32>
    %select_n3A_714 = arith.select %eq3A_713, %broadcast_in_dim3A_11, %max3A_712 : vector<16xi1>, vector<16xf32>
    %select_n3A_715 = arith.select %or3A_682, %broadcast_in_dim3A_11, %select_n3A_714 : vector<16xi1>, vector<16xf32>
    %reduce_min3A_716 = arith.constant true
    %reduce_min3A_717 = vector.broadcast %reduce_min3A_716 : i1 to vector<16xi1>
    %reduce_min3A_718 = tpu.scan <min>, %select_n3A_715 masked %reduce_min3A_717 : vector<16xf32>, vector<16xi1> -> vector<16xf32>
    %reduce_min3A_719 = vector.extract %reduce_min3A_718[15] : f32 from vector<16xf32>
    %not3A_720 = arith.constant dense<true> : vector<16xi1>
    %not3A_721 = arith.xori %or3A_682, %not3A_720 : vector<16xi1>
    %broadcast_in_dim3A_722 = vector.broadcast %reduce_min3A_719 : f32 to vector<16xf32>
    %eq3A_723 = arith.cmpf oeq, %select_n3A_715, %broadcast_in_dim3A_722 : vector<16xf32>
    %and3A_724 = arith.andi %not3A_721, %eq3A_723 : vector<16xi1>
    %broadcast_in_dim3A_725 = arith.constant 16 : i32
    %broadcast_in_dim3A_726 = vector.broadcast %broadcast_in_dim3A_725 : i32 to vector<16xi32>
    %select_n3A_727 = arith.select %and3A_724, %iota3A, %broadcast_in_dim3A_726 : vector<16xi1>, vector<16xi32>
    %reduce_min3A_728 = arith.constant true
    %reduce_min3A_729 = vector.broadcast %reduce_min3A_728 : i1 to vector<16xi1>
    %reduce_min3A_730 = arith.constant -2147483648 : i32
    %reduce_min3A_731 = vector.broadcast %reduce_min3A_730 : i32 to vector<16xi32>
    %reduce_min3A_732 = arith.xori %select_n3A_727, %reduce_min3A_731 : vector<16xi32>
    %reduce_min3A_733 = tpu.scan <min>, %reduce_min3A_732 masked %reduce_min3A_729 : vector<16xi32>, vector<16xi1> -> vector<16xi32>
    %reduce_min3A_734 = arith.xori %reduce_min3A_733, %reduce_min3A_731 : vector<16xi32>
    %reduce_min3A_735 = vector.extract %reduce_min3A_734[15] : i32 from vector<16xi32>
    %broadcast_in_dim3A_736 = vector.broadcast %reduce_min3A_735 : i32 to vector<16xi32>
    %broadcast_in_dim3A_737 = arith.constant 14 : i32
    %broadcast_in_dim3A_738 = vector.broadcast %broadcast_in_dim3A_737 : i32 to vector<16xi32>
    %eq3A_739 = arith.cmpi eq, %iota3A, %broadcast_in_dim3A_738 : vector<16xi32>
    %select_n3A_740 = arith.select %eq3A_739, %broadcast_in_dim3A_736, %select_n3A_680 : vector<16xi1>, vector<16xi32>
    %eq3A_741 = arith.cmpi eq, %iota3A, %broadcast_in_dim3A_736 : vector<16xi32>
    %or3A_742 = arith.ori %or3A_682, %eq3A_741 : vector<16xi1>
    %gather3A_743 = tpu.vector_load_idx %arg4[%iota3A, %broadcast_in_dim3A_736] : memref<19x16xf32, #tpu.memory_space<vmem>>[vector<16xi32>, vector<16xi32>], vector<16xf32>,
    %mul3A_744 = arith.mulf %gather3A_92, %gather3A_86 : vector<16xf32>
    %add3A_745 = arith.addf %get3A_6, %mul3A_744 : vector<16xf32>
    %mul3A_746 = arith.mulf %gather3A_119, %gather3A_81 : vector<16xf32>
    %add3A_747 = arith.addf %add3A_745, %mul3A_746 : vector<16xf32>
    %mul3A_748 = arith.mulf %gather3A_155, %gather3A_76 : vector<16xf32>
    %add3A_749 = arith.addf %add3A_747, %mul3A_748 : vector<16xf32>
    %mul3A_750 = arith.mulf %gather3A_193, %gather3A_71 : vector<16xf32>
    %add3A_751 = arith.addf %add3A_749, %mul3A_750 : vector<16xf32>
    %mul3A_752 = arith.mulf %gather3A_233, %gather3A_66 : vector<16xf32>
    %add3A_753 = arith.addf %add3A_751, %mul3A_752 : vector<16xf32>
    %mul3A_754 = arith.mulf %gather3A_275, %gather3A_61 : vector<16xf32>
    %add3A_755 = arith.addf %add3A_753, %mul3A_754 : vector<16xf32>
    %mul3A_756 = arith.mulf %gather3A_319, %gather3A_56 : vector<16xf32>
    %add3A_757 = arith.addf %add3A_755, %mul3A_756 : vector<16xf32>
    %mul3A_758 = arith.mulf %gather3A_365, %gather3A_51 : vector<16xf32>
    %add3A_759 = arith.addf %add3A_757, %mul3A_758 : vector<16xf32>
    %mul3A_760 = arith.mulf %gather3A_413, %gather3A_46 : vector<16xf32>
    %add3A_761 = arith.addf %add3A_759, %mul3A_760 : vector<16xf32>
    %mul3A_762 = arith.mulf %gather3A_463, %gather3A_41 : vector<16xf32>
    %add3A_763 = arith.addf %add3A_761, %mul3A_762 : vector<16xf32>
    %mul3A_764 = arith.mulf %gather3A_515, %gather3A_36 : vector<16xf32>
    %add3A_765 = arith.addf %add3A_763, %mul3A_764 : vector<16xf32>
    %mul3A_766 = arith.mulf %gather3A_569, %gather3A_31 : vector<16xf32>
    %add3A_767 = arith.addf %add3A_765, %mul3A_766 : vector<16xf32>
    %mul3A_768 = arith.mulf %gather3A_625, %gather3A_26 : vector<16xf32>
    %add3A_769 = arith.addf %add3A_767, %mul3A_768 : vector<16xf32>
    %mul3A_770 = arith.mulf %gather3A_683, %gather3A_21 : vector<16xf32>
    %add3A_771 = arith.addf %add3A_769, %mul3A_770 : vector<16xf32>
    %mul3A_772 = arith.mulf %gather3A_743, %gather3A_16 : vector<16xf32>
    %add3A_773 = arith.addf %add3A_771, %mul3A_772 : vector<16xf32>
    %max3A_774 = arith.maximumf %add3A_773, %broadcast_in_dim3A_13 : vector<16xf32>
    %eq3A_775 = arith.cmpf oeq, %max3A_774, %broadcast_in_dim3A_13 : vector<16xf32>
    %select_n3A_776 = arith.select %eq3A_775, %broadcast_in_dim3A_11, %max3A_774 : vector<16xi1>, vector<16xf32>
    %select_n3A_777 = arith.select %or3A_742, %broadcast_in_dim3A_11, %select_n3A_776 : vector<16xi1>, vector<16xf32>
    %reduce_min3A_778 = arith.constant true
    %reduce_min3A_779 = vector.broadcast %reduce_min3A_778 : i1 to vector<16xi1>
    %reduce_min3A_780 = tpu.scan <min>, %select_n3A_777 masked %reduce_min3A_779 : vector<16xf32>, vector<16xi1> -> vector<16xf32>
    %reduce_min3A_781 = vector.extract %reduce_min3A_780[15] : f32 from vector<16xf32>
    %not3A_782 = arith.constant dense<true> : vector<16xi1>
    %not3A_783 = arith.xori %or3A_742, %not3A_782 : vector<16xi1>
    %broadcast_in_dim3A_784 = vector.broadcast %reduce_min3A_781 : f32 to vector<16xf32>
    %eq3A_785 = arith.cmpf oeq, %select_n3A_777, %broadcast_in_dim3A_784 : vector<16xf32>
    %and3A_786 = arith.andi %not3A_783, %eq3A_785 : vector<16xi1>
    %broadcast_in_dim3A_787 = arith.constant 16 : i32
    %broadcast_in_dim3A_788 = vector.broadcast %broadcast_in_dim3A_787 : i32 to vector<16xi32>
    %select_n3A_789 = arith.select %and3A_786, %iota3A, %broadcast_in_dim3A_788 : vector<16xi1>, vector<16xi32>
    %reduce_min3A_790 = arith.constant true
    %reduce_min3A_791 = vector.broadcast %reduce_min3A_790 : i1 to vector<16xi1>
    %reduce_min3A_792 = arith.constant -2147483648 : i32
    %reduce_min3A_793 = vector.broadcast %reduce_min3A_792 : i32 to vector<16xi32>
    %reduce_min3A_794 = arith.xori %select_n3A_789, %reduce_min3A_793 : vector<16xi32>
    %reduce_min3A_795 = tpu.scan <min>, %reduce_min3A_794 masked %reduce_min3A_791 : vector<16xi32>, vector<16xi1> -> vector<16xi32>
    %reduce_min3A_796 = arith.xori %reduce_min3A_795, %reduce_min3A_793 : vector<16xi32>
    %reduce_min3A_797 = vector.extract %reduce_min3A_796[15] : i32 from vector<16xi32>
    %broadcast_in_dim3A_798 = vector.broadcast %reduce_min3A_797 : i32 to vector<16xi32>
    %broadcast_in_dim3A_799 = arith.constant 15 : i32
    %broadcast_in_dim3A_800 = vector.broadcast %broadcast_in_dim3A_799 : i32 to vector<16xi32>
    %eq3A_801 = arith.cmpi eq, %iota3A, %broadcast_in_dim3A_800 : vector<16xi32>
    %select_n3A_802 = arith.select %eq3A_801, %broadcast_in_dim3A_798, %select_n3A_740 : vector<16xi1>, vector<16xi32>
    %eq3A_803 = arith.cmpi eq, %iota3A, %broadcast_in_dim3A_798 : vector<16xi32>
    %or3A_804 = arith.ori %or3A_742, %eq3A_803 : vector<16xi1>
    %swap3A = arith.constant 0 : index
    %swap3A_805 = tpu.vector_load %arg5[%swap3A] {strides = array<i32>} : memref<16xi32, #tpu.memory_space<vmem>>, vector<16xi32>,
    tpu.vector_store %arg5[%swap3A], %select_n3A_802 {strides = array<i32>} : memref<16xi32, #tpu.memory_space<vmem>>, vector<16xi32>,
    "tpu.region"() ({
      %run_scoped3A = tpu.sem_alloc : memref<!tpu.dma_semaphore, #tpu.memory_space<semaphore_mem>>
      tpu.enqueue_dma source(%arg5 : memref<16xi32, #tpu.memory_space<vmem>>) target(%arg3 : memref<16xi32, #tpu.memory_space<hbm>>) target_semaphore(%run_scoped3A : memref<!tpu.dma_semaphore, #tpu.memory_space<semaphore_mem>>)
      tpu.wait_dma2 semaphore(%run_scoped3A : memref<!tpu.dma_semaphore, #tpu.memory_space<semaphore_mem>>) src(%arg5 : memref<16xi32, #tpu.memory_space<vmem>>) dst(%arg3 : memref<16xi32, #tpu.memory_space<hbm>>)
      tpu.yield
    }) : () -> ()
    return
  }
}

</mosaic_0001>

<sc_bundles>
// kernel: kernel.3.cloned.1.call-start
scs
__scs_entry_jumppad:
0x0: {  	(pc) =	sbr.rel $0x88, $3  }
0x1: {  	(tag) =	ssettag $0x0;
	lr =	simm.s32 $0x1  }
0x2: {  	[smem:$0x3F9D] =	sst lr;
	_ =	strace $0xD0000000  }
0x3: {  	_ = 	snop  }
0x4: {  	_ = 	snop  }
0x5: {  	_ = 	snop  }
0x6: {  	_ = 	snop  }
0x7: {  	_ = 	snop  }
__scs_overlays_trampoline_lowered:
0x8: {  	[smem:$0x3FAC] =	sst s0  }
0x9: {  	[smem:$0x3FAD] =	sst s1  }
0xa: {  	[smem:$0x3FAE] =	sst s2  }
0xb: {  	[smem:$0x3FAF] =	sst s3  }
0xc: {  	[smem:$0x3FB0] =	sst s4  }
0xd: {  	[smem:$0x3FB1] =	sst s5  }
0xe: {  	[smem:$0x3FB2] =	sst s6  }
0xf: {  	[smem:$0x3FB3] =	sst s7  }
0x10: {  	[smem:$0x3FB4] =	sst s8  }
0x11: {  	[smem:$0x3FB5] =	sst s9;
	s0 =	simm.s32 @!p0 $0x0  }
0x12: {  	s1 =	sld [smem:$0x3F9B];
	s0 =	simm.s32 @p0 $0x1  }
0x13: {  	[smem:$0x3FB6] =	sst s0;
	s0 =	simm.s32 @!p1 $0x0  }
0x14: {  	s2 =	sld [smem:$0x3F9A];
	s0 =	simm.s32 @p1 $0x1  }
0x15: {  	[smem:$0x3FB7] =	sst s0;
	s0 =	simm.s32 @!p2 $0x0  }
0x16: {  	s3 =	sld [smem:$0x3FDB];
	s0 =	simm.s32 @p2 $0x1  }
0x17: {  	s4 =	simm.s32 $0x1BF5;
	[smem:$0x3FB9] =	sst s0  }
0x18: {  	s0 =	sld [smem:$0x3F9C];
	_ =	swait.ge [sflag:s4], $0x0  }
0x19: {  	s7 =	sld [smem:$0x3F9D]  }
0x1a: {  	s8 =	sadd.s32 $0xFFFFE003, lr  }
0x1b: {  	s9 =	sadd.s32 $0xFFFFFEF7, lr;
	s5 =	simm.s32 $0xFFFFFFFF;
	p2 =	slt.u32 s8, $0xFFFFF086  }
0x1c: {  	p1 =	slt.u32 s9, $0xF7A;
	s5 =	simm.s32 @!p2 $0x0  }
0x1d: {  	s5 =	simm.s32 @p1 $0x1;
	p0 =	seq.s32 s7, s2  }
0x1e: {  	s7 =	smul.u32 @!p0 $0xF7A, s2;
	p2 =	seq.s32 @!p0 s5, $0x0  }
0x1f: {  	s9 =	smul.u32 $0xF7A, s1;
	s8 =	simm.s32 @!p0 $0x1BF5;
	p2 =	por !p2, p0  }
0x20: {  	[sflag:s8] =	ssyncset.s32 @!p0 $0xFFFFF086;
	s6 =	sadd.s32 @!p0 s3, s7;
	s7 =	simm.s32 @!p0 $0x108  }
0x21: {  	s3 =	sadd.s32 s3, s9;
	s6 =	sadd.s32 @!p0 $0x88, s6;
	s7 =	simm.s32 @p2 $0x1082  }
0x22: {  	[simem:s7], [sflag:s8] =	dma.local @!p0 [hbm:s6], $0xF7A  }
0x23: {  	s9 =	sor.u32 $0xD0000000, s2;
	s6 =	simm.s32 $0x108;
	_ =	swait.ge @!p0 [sflag:s8], $0x0  }
0x24: {  	s3 =	sadd.s32 $0x88, s3;
	s6 =	simm.s32 @!p1 $0x1082;
	[sflag:s4] =	ssyncset.s32 $0xFFFFF086  }
0x25: {  	[simem:s6], [sflag:s4] =	dma.local [hbm:s3], $0xF7A  }
0x26: {  	[smem:$0x3F9D] =	sst s1;
	(tag) =	ssettag s2;
	_ =	strace s9  }
0x27: {  	s1 =	sld [smem:$0x3FAD]  }
0x28: {  	s2 =	sld [smem:$0x3FAE]  }
0x29: {  	s4 =	sld [smem:$0x3FB0]  }
0x2a: {  	p0 =	seq.s32 s5, $0x0;
	s5 =	sld [smem:$0x3FB1]  }
0x2b: {  	s6 =	sld [smem:$0x3FB2]  }
0x2c: {  	s7 =	sld [smem:$0x3FB3]  }
0x2d: {  	s3 =	simm.s32 $0x108;
	s8 =	sld [smem:$0x3FB4]  }
0x2e: {  	s3 =	simm.s32 @!p0 $0x1082;
	s9 =	sld [smem:$0x3FB5]  }
0x2f: {  	lr =	sadd.s32 s0, s3;
	s0 =	sld [smem:$0x3FAC]  }
0x30: {  	s3 =	sld [smem:$0x3FAF]  }
0x31: {  	[smem:$0x3FB8] =	sst s10  }
0x32: {  	s10 =	sld [smem:$0x3FB6];
	_ =	sdelay $0x3  }
0x33: {  	p0 =	seq.s32 s10, $0x1;
	s10 =	sld [smem:$0x3FB8];
	_ =	sdelay $0x3  }
0x34: {  	[smem:$0x3FB8] =	sst s10  }
0x35: {  	s10 =	sld [smem:$0x3FB7];
	_ =	sdelay $0x3  }
0x36: {  	p1 =	seq.s32 s10, $0x1;
	s10 =	sld [smem:$0x3FB8];
	_ =	sdelay $0x3  }
0x37: {  	[smem:$0x3FB8] =	sst s10  }
0x38: {  	s10 =	sld [smem:$0x3FB9]  }
0x39: {  	_ = 	snop;
	(pc) =	sbr.ind lr, $3  }
0x3a: {  	_ = 	snop  }
0x3b: {  	_ = 	snop  }
0x3c: {  	p2 =	seq.s32 s10, $0x1;
	s10 =	sld [smem:$0x3FB8]  }
0x3d: {  	_ =	shalt  }
0x3e: {  	_ =	shalt  }
0x3f: {  	_ =	shalt  }
0x40: {  	_ =	shalt  }
0x41: {  	_ =	shalt  }
0x42: {  	_ =	shalt  }
0x43: {  	_ =	shalt  }
0x44: {  	_ =	shalt  }
0x45: {  	_ =	shalt  }
0x46: {  	_ =	shalt  }
0x47: {  	_ =	shalt  }
0x48: {  	_ =	shalt  }
0x49: {  	_ =	shalt  }
0x4a: {  	_ =	shalt  }
0x4b: {  	_ =	shalt  }
0x4c: {  	_ =	shalt  }
0x4d: {  	_ =	shalt  }
0x4e: {  	_ =	shalt  }
0x4f: {  	_ =	shalt  }
0x50: {  	_ =	shalt  }
0x51: {  	_ =	shalt  }
0x52: {  	_ =	shalt  }
0x53: {  	_ =	shalt  }
0x54: {  	_ =	shalt  }
0x55: {  	_ =	shalt  }
0x56: {  	_ =	shalt  }
0x57: {  	_ =	shalt  }
0x58: {  	_ =	shalt  }
0x59: {  	_ =	shalt  }
0x5a: {  	_ =	shalt  }
0x5b: {  	_ =	shalt  }
0x5c: {  	_ =	shalt  }
0x5d: {  	_ =	shalt  }
0x5e: {  	_ =	shalt  }
0x5f: {  	_ =	shalt  }
0x60: {  	_ =	shalt  }
0x61: {  	_ =	shalt  }
0x62: {  	_ =	shalt  }
0x63: {  	_ =	shalt  }
0x64: {  	_ =	shalt  }
0x65: {  	_ =	shalt  }
0x66: {  	_ =	shalt  }
0x67: {  	_ =	shalt  }
0x68: {  	_ =	shalt  }
0x69: {  	_ =	shalt  }
0x6a: {  	_ =	shalt  }
0x6b: {  	_ =	shalt  }
0x6c: {  	_ =	shalt  }
0x6d: {  	_ =	shalt  }
0x6e: {  	_ =	shalt  }
0x6f: {  	_ =	shalt  }
0x70: {  	_ =	shalt  }
0x71: {  	_ =	shalt  }
0x72: {  	_ =	shalt  }
0x73: {  	_ =	shalt  }
0x74: {  	_ =	shalt  }
0x75: {  	_ =	shalt  }
0x76: {  	_ =	shalt  }
0x77: {  	_ =	shalt  }
0x78: {  	_ =	shalt  }
0x79: {  	_ =	shalt  }
0x7a: {  	_ =	shalt  }
0x7b: {  	_ =	shalt  }
0x7c: {  	_ =	shalt  }
0x7d: {  	_ =	shalt  }
0x7e: {  	_ =	shalt  }
0x7f: {  	_ =	shalt  }
0x80: {  	_ =	shalt  }
0x81: {  	_ =	shalt  }
0x82: {  	_ =	shalt  }
0x83: {  	_ =	shalt  }
0x84: {  	_ =	shalt  }
0x85: {  	_ =	shalt  }
0x86: {  	_ =	shalt  }
0x87: {  	_ =	shalt  }
.Lfunc_end0:
.L_simem_size_0:
called_computation_lowered:
.L_overlay_start_0:
0x88: {  	s0 =	sld [smem:$0x3FD9]  }
0x89: {  	s1 =	sld [smem:$0x3FFE];
	_ =	sdelay $0x3  }
0x8a: {  	s0 =	sadd.s32 s1, s0  }
0x8b: {  	[smem:$0x3FC4] =	sst s0  }
0x8c: {  	_ = 	snop  }
0x8d: {  	s0 =	sld [smem:$0x3FD0];
	_ =	sdelay $0x2  }
0x8e: {  	s13 =	simm.s32 $0xA;
	s2 =	simm.s32 $0x10  }
0x8f: {  	[smem:s2], [sflag:s13] =	dma.local [hbm:s0], $0x1  }
0x90: {  	_ =	swait.eq [sflag:s13], $0x1  }
0x91: {  	[sflag:s13] =	ssyncset.done $0x0  }
0x92: {  	[sflag:s13] =	ssyncadd.s32 $0xFFFFFFFF  }
0x93: {  	s14 =	sld [smem:$0x10];
	(tm) =	ssettm $0x1  }
0x94: {  	s15 =	sld [smem:$0x3FFB];
	_ =	sdelay $0x3  }
0x95: {  	_ =	strace s15  }
0x96: {  	s1 =	sld [smem:$0x3FFC];
	_ =	sdelay $0x3  }
0x97: {  	_ =	strace s1  }
0x98: {  	s1 =	sld [smem:$0x3FFD];
	_ =	sdelay $0x3  }
0x99: {  	_ =	strace s1  }
0x9a: {  	_ =	strace $0x8FFFFFFF  }
0x9b: {  	s16 =	sld [smem:$0x3FDB];
	_ =	sdelay $0x1  }
0x9c: {  	s17 =	simm.s32 $_scs_section_size  }
0x9d: {  	s3 =	simm.s32 $_size__tile_overlayer_lowered;
	s4 =	simm.s32 $_tile_overlayer_lowered  }
0x9e: {  	s20 =	simm.s32 $0x1BFF;
	s19 =	sshll.u32 s4, $0x1;
	s1 =	sadd.s32 s17, s16  }
0x9f: {  	s5 =	simm.s32 $0x0;
	s18 =	sshll.u32 s3, $0x1;
	s3 =	sadd.s32 s19, s1  }
0xa0: {  	[timem:s5], [sflag:s20] =	dma.local [hbm:s3], s18  }
0xa1: {  	_ =	swait.ge [sflag:s20], s18  }
0xa2: {  	s2 =	ssub.s32 $0x0, s18;
	[sflag:s20] =	ssyncset.done $0x0  }
0xa3: {  	[sflag:s20] =	ssyncadd.s32 s2;
	_ =	sdelay $0x1  }
0xa4: {  	s21 =	simm.s32 $0x1B8B  }
0xa5: {  	_ =	swait.ge [sflag:s21], $0x1  }
0xa6: {  	[sflag:s21] =	ssyncset.done $0x0  }
0xa7: {  	s23 =	simm.s32 $0x1B8E;
	s22 =	sld [smem:$0x3FFE];
	[sflag:s21] =	ssyncadd.s32 $0xFFFFFFFF  }
0xa8: {  	s24 =	simm.s32 $execute0_lowered;
	[smem:$0x3FD2] =	sst s23  }
0xa9: {  	s3 =	sshll.u32 s24, $0x1;
	_ =	strace $0x80000046;
	[dreg:$0x1] =	wrdreg $0xFFFFFFFF  }
0xaa: {  	s25 =	simm.s32 $_size_execute0_lowered;
	s1 =	sadd.s32 s1, s3;
	[dreg:$0x0] =	wrdreg $0x0  }
0xab: {  	s3 =	sshll.u32 s25, $0x1;
	[dreg:$0x2] =	wrdreg s1  }
0xac: {  	[dreg:$0x3] =	wrdreg s3  }
0xad: {  	[dreg:$0x4] =	wrdreg $0xC0  }
0xae: {  	_ =	task [dreg:s5], $0x5FFFF  }
0xaf: {  	[dreg:$0x1] =	wrdreg $0xFFFFFFFF  }
0xb0: {  	[dreg:$0x0] =	wrdreg $0x60  }
0xb1: {  	[dreg:$0x2] =	wrdreg s22  }
0xb2: {  	[dreg:$0x3] =	wrdreg s14  }
0xb3: {  	[dreg:$0x4] =	wrdreg $0x9  }
0xb4: {  	_ =	task.clear_ibuf [dreg:s5], $0x5FFFF;
	_ =	strace $0x90000046  }
0xb5: {  	s26 =	simm.s32 $0x9;
	_ =	strace $0x80000048  }
0xb6: {  	_ =	swait.ge [sflag:s26], $0x1  }
0xb7: {  	[sflag:s26] =	ssyncadd.s32 $0xFFFFFFFF  }
0xb8: {  	_ =	strace $0x90000048  }
0xb9: {  	_ =	sfence  }
0xba: {  	s28 =	sld [smem:$0x0];
	_ =	sdelay $0x1  }
0xbb: {  	s29 =	srdreg.scid  }
0xbc: {  	s30 =	sshll.u32 s29, $0xD;
	s31 =	sshrl.u32 s29, $0x2  }
0xbd: {  	s2 =	sand.u32 $0x4000, s30;
	s1 =	sand.u32 $0x1, s29;
	s0 =	sadd.s32 s31, s28  }
0xbe: {  	s1 =	sor.u32 s2, s1;
	s0 =	sshll.u32 s0, $0x11  }
0xbf: {  	s0 =	sor.u32 s0, s1  }
0xc0: {  	s0 =	sadd.s32 $0x8F2B, s0  }
0xc1: {  	[sflag:s0] =	ssyncadd.remote.s32 $0x1  }
0xc2: {  	_ =	sfence.sel $0xFFFF  }
0xc3: {  	[dreg:$0x0] =	wrdreg $0xFFFFFFFF;
	(pc) =	sbr.abs _section_cstart, $3  }
0xc4: {  	[dreg:$0x1] =	wrdreg $0xFFFFFFFF  }
0xc5: {  	_ =	task.clear_ibuf [dreg:s5], $0x2FFFF;
	_ =	strace $0x9FFFFFFF  }
0xc6: {  	(tm) =	ssettm $0x7FFFFFFF  }
0xc7: {  	_ =	shalt  }
tec
execute0_lowered:
.L_overlay_start_1:
0x0: {  	(tag) =	ssettag $0x1  }
0x1: {  	s3 =	stileid.u32  }
0x2: {  	p0 =	sne.s32 s3, $0x0  }
.Ltmp0:
0x3: {  	_ = 	snop;
	(pc) =	sbr.rel @p0 .LBB2_2-.Ltmp0, $4  }
0x4: {  	_ = 	snop  }
0x5: {  	s2 =	rddreg [dreg:$0x0]  }
0x6: {  	s1 =	rddreg [dreg:$0x1]  }
0x7: {  	s0 =	rddreg [dreg:$0x2];
	_ =	strace $0x80000047  }
0x8: {  	s2 =	sadd.s32 $0x800, s2;
	s3 =	simm.s32 $0x0;
	s29 =	simm.s32 $0x1  }
0x9: {  	[tilespmem:s3], [sflag:$0x1] =	stream.linear.gather [hbm4b:s2+s3], $0x980, $0x38;
	[tilespmem:$0xC80] =	vst v63  }
0xa: {  	_ =	swait.ge [sflag:s29], $0x980  }
0xb: {  	[sflag:s29] =	ssyncset.done $0x0  }
0xc: {  	[sflag:s29] =	ssyncadd.s32 $0xFFFFF680  }
0xd: {  	v0 =	vld [tilespmem:$0x900];
	_ =	sdelay $0x4  }
0xe: {  	v1 =	vtrunc.f32 v0;
	v0 =	vlaneseq.u32  }
0xf: {  	v1 =	vcvt.f32.s32 v1;
	v4 =	vmul.u32 $0x80, v0;
	_ =	sdelay $0x1  }
0x10: {  	v2 =	vadd.s32 v4, v1;
	_ =	sdelay $0x2  }
0x11: {  	v8 =	vld [tilespmem:$0x800];
	_ =	sdelay $0x1  }
0x12: {  	v7 =	vld.idx.msk [tilespmem:v2+s3+$0x0], $0xffff;
	_ =	sdelay $0x1  }
0x13: {  	v42 =	vimm.s32 $0x0;
	v6 =	vld [tilespmem:$0x880]  }
0x14: {  	v3 =	vperm.xlane v8, v42;
	_ =	sdelay $0x1  }
0x15: {  	v2 =	vmul.f32 v7, v3;
	_ =	sdelay $0x1  }
0x16: {  	v2 =	vadd.f32 v2, v6;
	_ =	sdelay $0x1  }
0x17: {  	v2 =	vmax.f32 v2, $0.0e+00  }
0x18: {  	vm0 =	veq.s32 v1, v0;
	vm1 =	veq.f32 v2, $0.0e+00  }
0x19: {  	vm1 =	vmor vm0, vm1  }
0x1a: {  	v2 =	vsel vm1, $0x7F800000, v2  }
0x1b: {  	(xrf0) =	vmin.scan.msk.f32 $0xffff, v2;
	_ =	sdelay $0x5  }
0x1c: {  	v5, _, _ =	vpop (xrf0)  }
0x1d: {  	v5 =	vbroadcast v5, $0xF;
	_ =	sdelay $0x1  }
0x1e: {  	vm1 =	vne.f32 v2, v5  }
0x1f: {  	v2 =	vor.u32 $0x80000000, v0;
	vm1 =	vmor vm0, vm1  }
0x20: {  	v43 =	vsel vm1, $0x80000010, v2  }
0x21: {  	(xrf0) =	vmin.scan.msk.u32 $0xffff, v43;
	_ =	sdelay $0x5  }
0x22: {  	v5, _, _ =	vpop (xrf0)  }
0x23: {  	(v2sf) =	vpush v5, $0xF;
	_ =	sdelay $0xe  }
0x24: {  	s4 =	spop (v2sf)  }
0x25: {  	s4 =	sxor.u32 $0x80000000, s4  }
0x26: {  	v44 =	vadd.s32 s4, v4;
	_ =	sdelay $0x4  }
0x27: {  	v9 =	vimm.s32 $0x1;
	v10 =	vld.idx.msk [tilespmem:v44+s3+$0x0], $0xffff  }
0x28: {  	v5 =	vperm.xlane v8, v9;
	_ =	sdelay $0x1  }
0x29: {  	v9 =	vmul.f32 v7, v5;
	_ =	sdelay $0x1  }
0x2a: {  	v9 =	vadd.f32 v9, v6;
	v11 =	vmul.f32 v10, v3;
	_ =	sdelay $0x1  }
0x2b: {  	v9 =	vadd.f32 v11, v9  }
0x2c: {  	v45 =	vmov s4  }
0x2d: {  	vm9 =	veq.s32 v45, v0;
	v9 =	vmax.f32 v9, $0.0e+00  }
0x2e: {  	vm0 =	vmor vm0, vm9;
	vm10 =	veq.f32 v9, $0.0e+00  }
0x2f: {  	vm1 =	vmor vm0, vm10  }
0x30: {  	v9 =	vsel vm1, $0x7F800000, v9  }
0x31: {  	(xrf0) =	vmin.scan.msk.f32 $0xffff, v9;
	_ =	sdelay $0x5  }
0x32: {  	v46, _, _ =	vpop (xrf0)  }
0x33: {  	v11 =	vbroadcast v46, $0xF;
	_ =	sdelay $0x1  }
0x34: {  	vm1 =	vne.f32 v9, v11  }
0x35: {  	vm1 =	vmor vm0, vm1  }
0x36: {  	v47 =	vsel vm1, $0x80000010, v2  }
0x37: {  	(xrf0) =	vmin.scan.msk.u32 $0xffff, v47;
	_ =	sdelay $0x5  }
0x38: {  	v9, _, _ =	vpop (xrf0)  }
0x39: {  	(v2sf) =	vpush v9, $0xF;
	_ =	sdelay $0xe  }
0x3a: {  	s5 =	spop (v2sf)  }
0x3b: {  	s5 =	sxor.u32 $0x80000000, s5  }
0x3c: {  	v48 =	vadd.s32 s5, v4;
	_ =	sdelay $0x2  }
0x3d: {  	v49 =	vimm.s32 $0x2  }
0x3e: {  	v9 =	vperm.xlane v8, v49  }
0x3f: {  	v11 =	vld.idx.msk [tilespmem:v48+s3+$0x0], $0xffff  }
0x40: {  	v12 =	vmul.f32 v7, v9;
	_ =	sdelay $0x1  }
0x41: {  	v13 =	vmul.f32 v10, v5;
	v12 =	vadd.f32 v12, v6;
	_ =	sdelay $0x1  }
0x42: {  	v12 =	vadd.f32 v13, v12;
	v50 =	vmul.f32 v11, v3;
	_ =	sdelay $0x1  }
0x43: {  	v12 =	vadd.f32 v50, v12  }
0x44: {  	v51 =	vmov s5  }
0x45: {  	vm11 =	veq.s32 v51, v0;
	v12 =	vmax.f32 v12, $0.0e+00  }
0x46: {  	vm0 =	vmor vm0, vm11;
	vm12 =	veq.f32 v12, $0.0e+00  }
0x47: {  	vm1 =	vmor vm0, vm12  }
0x48: {  	v12 =	vsel vm1, $0x7F800000, v12  }
0x49: {  	(xrf0) =	vmin.scan.msk.f32 $0xffff, v12;
	_ =	sdelay $0x5  }
0x4a: {  	v52, _, _ =	vpop (xrf0)  }
0x4b: {  	v13 =	vbroadcast v52, $0xF;
	_ =	sdelay $0x1  }
0x4c: {  	vm1 =	vne.f32 v12, v13  }
0x4d: {  	vm1 =	vmor vm0, vm1  }
0x4e: {  	v53 =	vsel vm1, $0x80000010, v2  }
0x4f: {  	(xrf0) =	vmin.scan.msk.u32 $0xffff, v53;
	_ =	sdelay $0x5  }
0x50: {  	v12, _, _ =	vpop (xrf0)  }
0x51: {  	(v2sf) =	vpush v12, $0xF;
	_ =	sdelay $0xe  }
0x52: {  	s6 =	spop (v2sf)  }
0x53: {  	s6 =	sxor.u32 $0x80000000, s6  }
0x54: {  	v54 =	vadd.s32 s6, v4  }
0x55: {  	v55 =	vimm.s32 $0x3  }
0x56: {  	v12 =	vperm.xlane v8, v55;
	_ =	sdelay $0x1  }
0x57: {  	v14 =	vmul.f32 v7, v12  }
0x58: {  	v13 =	vld.idx.msk [tilespmem:v54+s3+$0x0], $0xffff  }
0x59: {  	v15 =	vmul.f32 v10, v9;
	v14 =	vadd.f32 v14, v6;
	_ =	sdelay $0x1  }
0x5a: {  	v56 =	vmul.f32 v11, v5;
	v14 =	vadd.f32 v15, v14;
	_ =	sdelay $0x1  }
0x5b: {  	v14 =	vadd.f32 v56, v14;
	v57 =	vmul.f32 v13, v3;
	_ =	sdelay $0x1  }
0x5c: {  	v14 =	vadd.f32 v57, v14  }
0x5d: {  	v58 =	vmov s6  }
0x5e: {  	vm13 =	veq.s32 v58, v0;
	v14 =	vmax.f32 v14, $0.0e+00  }
0x5f: {  	vm0 =	vmor vm0, vm13;
	vm14 =	veq.f32 v14, $0.0e+00  }
0x60: {  	vm1 =	vmor vm0, vm14  }
0x61: {  	v14 =	vsel vm1, $0x7F800000, v14  }
0x62: {  	(xrf0) =	vmin.scan.msk.f32 $0xffff, v14;
	_ =	sdelay $0x5  }
0x63: {  	v59, _, _ =	vpop (xrf0)  }
0x64: {  	v15 =	vbroadcast v59, $0xF;
	_ =	sdelay $0x1  }
0x65: {  	vm1 =	vne.f32 v14, v15  }
0x66: {  	vm1 =	vmor vm0, vm1  }
0x67: {  	v60 =	vsel vm1, $0x80000010, v2  }
0x68: {  	(xrf0) =	vmin.scan.msk.u32 $0xffff, v60;
	_ =	sdelay $0x5  }
0x69: {  	v14, _, _ =	vpop (xrf0)  }
0x6a: {  	(v2sf) =	vpush v14, $0xF;
	_ =	sdelay $0xe  }
0x6b: {  	s7 =	spop (v2sf)  }
0x6c: {  	v61 =	vimm.s32 $0x4;
	s7 =	sxor.u32 $0x80000000, s7  }
0x6d: {  	v14 =	vperm.xlane v8, v61;
	v62 =	vadd.s32 s7, v4;
	_ =	sdelay $0x1  }
0x6e: {  	v16 =	vmul.f32 v7, v14;
	_ =	sdelay $0x1  }
0x6f: {  	v17 =	vmul.f32 v10, v12;
	v16 =	vadd.f32 v16, v6  }
0x70: {  	v15 =	vld.idx.msk [tilespmem:v62+s3+$0x0], $0xffff  }
0x71: {  	v63 =	vmul.f32 v11, v9;
	v16 =	vadd.f32 v17, v16;
	_ =	sdelay $0x1  }
0x72: {  	v20 =	vmul.f32 v13, v5;
	v16 =	vadd.f32 v63, v16;
	_ =	sdelay $0x1  }
0x73: {  	v16 =	vadd.f32 v20, v16;
	v21 =	vmul.f32 v15, v3;
	_ =	sdelay $0x1  }
0x74: {  	v16 =	vadd.f32 v21, v16  }
0x75: {  	v22 =	vmov s7  }
0x76: {  	vm15 =	veq.s32 v22, v0;
	v16 =	vmax.f32 v16, $0.0e+00  }
0x77: {  	vm0 =	vmor vm0, vm15;
	vm4 =	veq.f32 v16, $0.0e+00  }
0x78: {  	vm1 =	vmor vm0, vm4  }
0x79: {  	v16 =	vsel vm1, $0x7F800000, v16  }
0x7a: {  	(xrf0) =	vmin.scan.msk.f32 $0xffff, v16;
	_ =	sdelay $0x5  }
0x7b: {  	v23, _, _ =	vpop (xrf0)  }
0x7c: {  	v17 =	vbroadcast v23, $0xF;
	_ =	sdelay $0x1  }
0x7d: {  	vm1 =	vne.f32 v16, v17  }
0x7e: {  	vm1 =	vmor vm0, vm1  }
0x7f: {  	v24 =	vsel vm1, $0x80000010, v2  }
0x80: {  	(xrf0) =	vmin.scan.msk.u32 $0xffff, v24;
	_ =	sdelay $0x5  }
0x81: {  	v16, _, _ =	vpop (xrf0)  }
0x82: {  	(v2sf) =	vpush v16, $0xF;
	_ =	sdelay $0xd  }
0x83: {  	v25 =	vimm.s32 $0x5  }
0x84: {  	v16 =	vperm.xlane v8, v25;
	s8 =	spop (v2sf)  }
0x85: {  	s8 =	sxor.u32 $0x80000000, s8  }
0x86: {  	v18 =	vmul.f32 v7, v16;
	v26 =	vadd.s32 s8, v4;
	_ =	sdelay $0x1  }
0x87: {  	v19 =	vmul.f32 v10, v14;
	v18 =	vadd.f32 v18, v6;
	_ =	sdelay $0x1  }
0x88: {  	v27 =	vmul.f32 v11, v12;
	v18 =	vadd.f32 v19, v18  }
0x89: {  	v17 =	vld.idx.msk [tilespmem:v26+s3+$0x0], $0xffff  }
0x8a: {  	v28 =	vmul.f32 v13, v9;
	v18 =	vadd.f32 v27, v18;
	_ =	sdelay $0x1  }
0x8b: {  	v29 =	vmul.f32 v15, v5;
	v18 =	vadd.f32 v28, v18;
	_ =	sdelay $0x1  }
0x8c: {  	v18 =	vadd.f32 v29, v18;
	v30 =	vmul.f32 v17, v3;
	_ =	sdelay $0x1  }
0x8d: {  	v18 =	vadd.f32 v30, v18  }
0x8e: {  	v31 =	vmov s8  }
0x8f: {  	vm5 =	veq.s32 v31, v0;
	v18 =	vmax.f32 v18, $0.0e+00  }
0x90: {  	vm0 =	vmor vm0, vm5;
	vm6 =	veq.f32 v18, $0.0e+00  }
0x91: {  	vm1 =	vmor vm0, vm6  }
0x92: {  	v18 =	vsel vm1, $0x7F800000, v18  }
0x93: {  	(xrf0) =	vmin.scan.msk.f32 $0xffff, v18;
	_ =	sdelay $0x5  }
0x94: {  	v32, _, _ =	vpop (xrf0)  }
0x95: {  	v19 =	vbroadcast v32, $0xF;
	_ =	sdelay $0x1  }
0x96: {  	vm1 =	vne.f32 v18, v19  }
0x97: {  	vm1 =	vmor vm0, vm1  }
0x98: {  	v33 =	vsel vm1, $0x80000010, v2  }
0x99: {  	(xrf0) =	vmin.scan.msk.u32 $0xffff, v33;
	_ =	sdelay $0x5  }
0x9a: {  	v18, _, _ =	vpop (xrf0)  }
0x9b: {  	(v2sf) =	vpush v18, $0xF;
	_ =	sdelay $0xb  }
0x9c: {  	v34 =	vimm.s32 $0x6  }
0x9d: {  	v18 =	vperm.xlane v8, v34;
	_ =	sdelay $0x1  }
0x9e: {  	v35 =	vmul.f32 v7, v18;
	s9 =	spop (v2sf)  }
0x9f: {  	s9 =	sxor.u32 $0x80000000, s9  }
0xa0: {  	v21 =	vmul.f32 v10, v16;
	v19 =	vadd.f32 v35, v6;
	v20 =	vadd.s32 s9, v4;
	_ =	sdelay $0x1  }
0xa1: {  	v36 =	vmul.f32 v11, v14;
	v19 =	vadd.f32 v21, v19;
	_ =	sdelay $0x1  }
0xa2: {  	v22 =	vmul.f32 v13, v12;
	v21 =	vadd.f32 v36, v19  }
0xa3: {  	v19 =	vld.idx.msk [tilespmem:v20+s3+$0x0], $0xffff  }
0xa4: {  	v38 =	vmul.f32 v15, v9;
	v37 =	vadd.f32 v22, v21;
	_ =	sdelay $0x1  }
0xa5: {  	v39 =	vmul.f32 v17, v5;
	v20 =	vadd.f32 v38, v37;
	_ =	sdelay $0x1  }
0xa6: {  	v20 =	vadd.f32 v39, v20;
	v40 =	vmul.f32 v19, v3;
	_ =	sdelay $0x1  }
0xa7: {  	v20 =	vadd.f32 v40, v20  }
0xa8: {  	v41 =	vmov s9  }
0xa9: {  	vm7 =	veq.s32 v41, v0;
	v20 =	vmax.f32 v20, $0.0e+00  }
0xaa: {  	vm0 =	vmor vm0, vm7;
	vm8 =	veq.f32 v20, $0.0e+00  }
0xab: {  	vm1 =	vmor vm0, vm8  }
0xac: {  	v20 =	vsel vm1, $0x7F800000, v20  }
0xad: {  	(xrf0) =	vmin.scan.msk.f32 $0xffff, v20;
	_ =	sdelay $0x5  }
0xae: {  	v42, _, _ =	vpop (xrf0)  }
0xaf: {  	v21 =	vbroadcast v42, $0xF;
	_ =	sdelay $0x1  }
0xb0: {  	vm1 =	vne.f32 v20, v21  }
0xb1: {  	vm1 =	vmor vm0, vm1  }
0xb2: {  	v43 =	vsel vm1, $0x80000010, v2  }
0xb3: {  	(xrf0) =	vmin.scan.msk.u32 $0xffff, v43;
	_ =	sdelay $0x5  }
0xb4: {  	v20, _, _ =	vpop (xrf0)  }
0xb5: {  	(v2sf) =	vpush v20, $0xF;
	_ =	sdelay $0x9  }
0xb6: {  	v44 =	vimm.s32 $0x7  }
0xb7: {  	v20 =	vperm.xlane v8, v44;
	_ =	sdelay $0x1  }
0xb8: {  	v45 =	vmul.f32 v7, v20;
	_ =	sdelay $0x1  }
0xb9: {  	v46 =	vmul.f32 v10, v18;
	v21 =	vadd.f32 v45, v6;
	s10 =	spop (v2sf)  }
0xba: {  	s10 =	sxor.u32 $0x80000000, s10  }
0xbb: {  	v47 =	vmul.f32 v11, v16;
	v21 =	vadd.f32 v46, v21;
	v23 =	vadd.s32 s10, v4;
	_ =	sdelay $0x1  }
0xbc: {  	v48 =	vmul.f32 v13, v14;
	v21 =	vadd.f32 v47, v21;
	_ =	sdelay $0x1  }
0xbd: {  	v24 =	vmul.f32 v15, v12;
	v22 =	vadd.f32 v48, v21  }
0xbe: {  	v21 =	vld.idx.msk [tilespmem:v23+s3+$0x0], $0xffff  }
0xbf: {  	v49 =	vmul.f32 v17, v9;
	v22 =	vadd.f32 v24, v22;
	_ =	sdelay $0x1  }
0xc0: {  	v50 =	vmul.f32 v19, v5;
	v22 =	vadd.f32 v49, v22;
	_ =	sdelay $0x1  }
0xc1: {  	v22 =	vadd.f32 v50, v22;
	v51 =	vmul.f32 v21, v3;
	_ =	sdelay $0x1  }
0xc2: {  	v22 =	vadd.f32 v51, v22  }
0xc3: {  	v52 =	vmov s10  }
0xc4: {  	vm9 =	veq.s32 v52, v0;
	v22 =	vmax.f32 v22, $0.0e+00  }
0xc5: {  	vm0 =	vmor vm0, vm9;
	vm10 =	veq.f32 v22, $0.0e+00  }
0xc6: {  	vm1 =	vmor vm0, vm10  }
0xc7: {  	v22 =	vsel vm1, $0x7F800000, v22  }
0xc8: {  	(xrf0) =	vmin.scan.msk.f32 $0xffff, v22;
	_ =	sdelay $0x5  }
0xc9: {  	v53, _, _ =	vpop (xrf0)  }
0xca: {  	v23 =	vbroadcast v53, $0xF;
	_ =	sdelay $0x1  }
0xcb: {  	vm1 =	vne.f32 v22, v23  }
0xcc: {  	vm1 =	vmor vm0, vm1  }
0xcd: {  	v54 =	vsel vm1, $0x80000010, v2  }
0xce: {  	(xrf0) =	vmin.scan.msk.u32 $0xffff, v54;
	_ =	sdelay $0x5  }
0xcf: {  	v22, _, _ =	vpop (xrf0)  }
0xd0: {  	(v2sf) =	vpush v22, $0xF;
	_ =	sdelay $0x7  }
0xd1: {  	v55 =	vimm.s32 $0x8  }
0xd2: {  	v22 =	vperm.xlane v8, v55;
	_ =	sdelay $0x1  }
0xd3: {  	v56 =	vmul.f32 v7, v22;
	_ =	sdelay $0x1  }
0xd4: {  	v57 =	vmul.f32 v10, v20;
	v23 =	vadd.f32 v56, v6;
	_ =	sdelay $0x1  }
0xd5: {  	v58 =	vmul.f32 v11, v18;
	v23 =	vadd.f32 v57, v23;
	s11 =	spop (v2sf)  }
0xd6: {  	s11 =	sxor.u32 $0x80000000, s11  }
0xd7: {  	v59 =	vmul.f32 v13, v16;
	v23 =	vadd.f32 v58, v23;
	v25 =	vadd.s32 s11, v4;
	_ =	sdelay $0x1  }
0xd8: {  	v60 =	vmul.f32 v15, v14;
	v23 =	vadd.f32 v59, v23;
	_ =	sdelay $0x1  }
0xd9: {  	v26 =	vmul.f32 v17, v12;
	v24 =	vadd.f32 v60, v23  }
0xda: {  	v23 =	vld.idx.msk [tilespmem:v25+s3+$0x0], $0xffff  }
0xdb: {  	v61 =	vmul.f32 v19, v9;
	v24 =	vadd.f32 v26, v24;
	_ =	sdelay $0x1  }
0xdc: {  	v62 =	vmul.f32 v21, v5;
	v24 =	vadd.f32 v61, v24;
	_ =	sdelay $0x1  }
0xdd: {  	v24 =	vadd.f32 v62, v24;
	v63 =	vmul.f32 v23, v3;
	_ =	sdelay $0x1  }
0xde: {  	v24 =	vadd.f32 v63, v24  }
0xdf: {  	v28 =	vmov s11  }
0xe0: {  	vm11 =	veq.s32 v28, v0;
	v24 =	vmax.f32 v24, $0.0e+00  }
0xe1: {  	vm0 =	vmor vm0, vm11;
	vm12 =	veq.f32 v24, $0.0e+00  }
0xe2: {  	vm1 =	vmor vm0, vm12  }
0xe3: {  	v24 =	vsel vm1, $0x7F800000, v24  }
0xe4: {  	(xrf0) =	vmin.scan.msk.f32 $0xffff, v24;
	_ =	sdelay $0x5  }
0xe5: {  	v29, _, _ =	vpop (xrf0)  }
0xe6: {  	v25 =	vbroadcast v29, $0xF;
	_ =	sdelay $0x1  }
0xe7: {  	vm1 =	vne.f32 v24, v25  }
0xe8: {  	vm1 =	vmor vm0, vm1  }
0xe9: {  	v30 =	vsel vm1, $0x80000010, v2  }
0xea: {  	(xrf0) =	vmin.scan.msk.u32 $0xffff, v30;
	_ =	sdelay $0x5  }
0xeb: {  	v24, _, _ =	vpop (xrf0)  }
0xec: {  	(v2sf) =	vpush v24, $0xF;
	_ =	sdelay $0x5  }
0xed: {  	v31 =	vimm.s32 $0x9  }
0xee: {  	v24 =	vperm.xlane v8, v31;
	_ =	sdelay $0x1  }
0xef: {  	v32 =	vmul.f32 v7, v24;
	_ =	sdelay $0x1  }
0xf0: {  	v33 =	vmul.f32 v10, v22;
	v25 =	vadd.f32 v32, v6;
	_ =	sdelay $0x1  }
0xf1: {  	v34 =	vmul.f32 v11, v20;
	v25 =	vadd.f32 v33, v25;
	_ =	sdelay $0x1  }
0xf2: {  	v35 =	vmul.f32 v13, v18;
	v25 =	vadd.f32 v34, v25;
	s12 =	spop (v2sf)  }
0xf3: {  	s12 =	sxor.u32 $0x80000000, s12  }
0xf4: {  	v36 =	vmul.f32 v15, v16;
	v25 =	vadd.f32 v35, v25;
	v27 =	vadd.s32 s12, v4;
	_ =	sdelay $0x1  }
0xf5: {  	v37 =	vmul.f32 v17, v14;
	v25 =	vadd.f32 v36, v25;
	_ =	sdelay $0x1  }
0xf6: {  	v28 =	vmul.f32 v19, v12;
	v26 =	vadd.f32 v37, v25  }
0xf7: {  	v25 =	vld.idx.msk [tilespmem:v27+s3+$0x0], $0xffff  }
0xf8: {  	v38 =	vmul.f32 v21, v9;
	v26 =	vadd.f32 v28, v26;
	_ =	sdelay $0x1  }
0xf9: {  	v39 =	vmul.f32 v23, v5;
	v26 =	vadd.f32 v38, v26;
	_ =	sdelay $0x1  }
0xfa: {  	v26 =	vadd.f32 v39, v26;
	v40 =	vmul.f32 v25, v3;
	_ =	sdelay $0x1  }
0xfb: {  	v26 =	vadd.f32 v40, v26  }
0xfc: {  	v41 =	vmov s12  }
0xfd: {  	vm13 =	veq.s32 v41, v0;
	v26 =	vmax.f32 v26, $0.0e+00  }
0xfe: {  	vm0 =	vmor vm0, vm13;
	vm14 =	veq.f32 v26, $0.0e+00  }
0xff: {  	vm1 =	vmor vm0, vm14  }
0x100: {  	v26 =	vsel vm1, $0x7F800000, v26  }
0x101: {  	(xrf0) =	vmin.scan.msk.f32 $0xffff, v26;
	_ =	sdelay $0x5  }
0x102: {  	v42, _, _ =	vpop (xrf0)  }
0x103: {  	v27 =	vbroadcast v42, $0xF;
	_ =	sdelay $0x1  }
0x104: {  	vm1 =	vne.f32 v26, v27  }
0x105: {  	vm1 =	vmor vm0, vm1  }
0x106: {  	v43 =	vsel vm1, $0x80000010, v2  }
0x107: {  	(xrf0) =	vmin.scan.msk.u32 $0xffff, v43;
	_ =	sdelay $0x5  }
0x108: {  	v26, _, _ =	vpop (xrf0)  }
0x109: {  	(v2sf) =	vpush v26, $0xF;
	_ =	sdelay $0x3  }
0x10a: {  	v44 =	vimm.s32 $0xA  }
0x10b: {  	v26 =	vperm.xlane v8, v44;
	_ =	sdelay $0x1  }
0x10c: {  	v45 =	vmul.f32 v7, v26;
	_ =	sdelay $0x1  }
0x10d: {  	v46 =	vmul.f32 v10, v24;
	v27 =	vadd.f32 v45, v6;
	_ =	sdelay $0x1  }
0x10e: {  	v47 =	vmul.f32 v11, v22;
	v27 =	vadd.f32 v46, v27;
	_ =	sdelay $0x1  }
0x10f: {  	v48 =	vmul.f32 v13, v20;
	v27 =	vadd.f32 v47, v27;
	_ =	sdelay $0x1  }
0x110: {  	v49 =	vmul.f32 v15, v18;
	v27 =	vadd.f32 v48, v27;
	s13 =	spop (v2sf)  }
0x111: {  	s13 =	sxor.u32 $0x80000000, s13  }
0x112: {  	v50 =	vmul.f32 v17, v16;
	v27 =	vadd.f32 v49, v27;
	v29 =	vadd.s32 s13, v4;
	_ =	sdelay $0x1  }
0x113: {  	v51 =	vmul.f32 v19, v14;
	v27 =	vadd.f32 v50, v27;
	_ =	sdelay $0x1  }
0x114: {  	v30 =	vmul.f32 v21, v12;
	v28 =	vadd.f32 v51, v27  }
0x115: {  	v27 =	vld.idx.msk [tilespmem:v29+s3+$0x0], $0xffff  }
0x116: {  	v52 =	vmul.f32 v23, v9;
	v28 =	vadd.f32 v30, v28;
	_ =	sdelay $0x1  }
0x117: {  	v53 =	vmul.f32 v25, v5;
	v28 =	vadd.f32 v52, v28;
	_ =	sdelay $0x1  }
0x118: {  	v28 =	vadd.f32 v53, v28;
	v54 =	vmul.f32 v27, v3;
	_ =	sdelay $0x1  }
0x119: {  	v28 =	vadd.f32 v54, v28  }
0x11a: {  	v55 =	vmov s13  }
0x11b: {  	vm15 =	veq.s32 v55, v0;
	v28 =	vmax.f32 v28, $0.0e+00  }
0x11c: {  	vm0 =	vmor vm0, vm15;
	vm4 =	veq.f32 v28, $0.0e+00  }
0x11d: {  	vm1 =	vmor vm0, vm4  }
0x11e: {  	v28 =	vsel vm1, $0x7F800000, v28  }
0x11f: {  	(xrf0) =	vmin.scan.msk.f32 $0xffff, v28;
	_ =	sdelay $0x5  }
0x120: {  	v56, _, _ =	vpop (xrf0)  }
0x121: {  	v29 =	vbroadcast v56, $0xF;
	_ =	sdelay $0x1  }
0x122: {  	vm1 =	vne.f32 v28, v29  }
0x123: {  	vm1 =	vmor vm0, vm1  }
0x124: {  	v57 =	vsel vm1, $0x80000010, v2  }
0x125: {  	(xrf0) =	vmin.scan.msk.u32 $0xffff, v57;
	_ =	sdelay $0x5  }
0x126: {  	v28, _, _ =	vpop (xrf0)  }
0x127: {  	(v2sf) =	vpush v28, $0xF;
	_ =	sdelay $0x1  }
0x128: {  	v58 =	vimm.s32 $0xB  }
0x129: {  	v28 =	vperm.xlane v8, v58;
	_ =	sdelay $0x1  }
0x12a: {  	v59 =	vmul.f32 v7, v28;
	_ =	sdelay $0x1  }
0x12b: {  	v60 =	vmul.f32 v10, v26;
	v29 =	vadd.f32 v59, v6;
	_ =	sdelay $0x1  }
0x12c: {  	v61 =	vmul.f32 v11, v24;
	v29 =	vadd.f32 v60, v29;
	_ =	sdelay $0x1  }
0x12d: {  	v62 =	vmul.f32 v13, v22;
	v29 =	vadd.f32 v61, v29;
	_ =	sdelay $0x1  }
0x12e: {  	v63 =	vmul.f32 v15, v20;
	v29 =	vadd.f32 v62, v29;
	_ =	sdelay $0x1  }
0x12f: {  	v33 =	vmul.f32 v17, v18;
	v29 =	vadd.f32 v63, v29;
	s14 =	spop (v2sf)  }
0x130: {  	s14 =	sxor.u32 $0x80000000, s14  }
0x131: {  	v34 =	vmul.f32 v19, v16;
	v29 =	vadd.f32 v33, v29;
	v31 =	vadd.s32 s14, v4;
	_ =	sdelay $0x1  }
0x132: {  	v35 =	vmul.f32 v21, v14;
	v29 =	vadd.f32 v34, v29;
	_ =	sdelay $0x1  }
0x133: {  	v32 =	vmul.f32 v23, v12;
	v30 =	vadd.f32 v35, v29  }
0x134: {  	v29 =	vld.idx.msk [tilespmem:v31+s3+$0x0], $0xffff  }
0x135: {  	v36 =	vmul.f32 v25, v9;
	v30 =	vadd.f32 v32, v30;
	_ =	sdelay $0x1  }
0x136: {  	v37 =	vmul.f32 v27, v5;
	v30 =	vadd.f32 v36, v30;
	_ =	sdelay $0x1  }
0x137: {  	v30 =	vadd.f32 v37, v30;
	v38 =	vmul.f32 v29, v3;
	_ =	sdelay $0x1  }
0x138: {  	v30 =	vadd.f32 v38, v30  }
0x139: {  	v39 =	vmov s14  }
0x13a: {  	vm5 =	veq.s32 v39, v0;
	v30 =	vmax.f32 v30, $0.0e+00  }
0x13b: {  	vm0 =	vmor vm0, vm5;
	vm6 =	veq.f32 v30, $0.0e+00  }
0x13c: {  	vm1 =	vmor vm0, vm6  }
0x13d: {  	v30 =	vsel vm1, $0x7F800000, v30  }
0x13e: {  	(xrf0) =	vmin.scan.msk.f32 $0xffff, v30;
	_ =	sdelay $0x5  }
0x13f: {  	v40, _, _ =	vpop (xrf0)  }
0x140: {  	v31 =	vbroadcast v40, $0xF;
	_ =	sdelay $0x1  }
0x141: {  	vm1 =	vne.f32 v30, v31  }
0x142: {  	vm1 =	vmor vm0, vm1  }
0x143: {  	v41 =	vsel vm1, $0x80000010, v2  }
0x144: {  	(xrf0) =	vmin.scan.msk.u32 $0xffff, v41;
	_ =	sdelay $0x5  }
0x145: {  	v30, _, _ =	vpop (xrf0)  }
0x146: {  	v42 =	vimm.s32 $0xC;
	(v2sf) =	vpush v30, $0xF  }
0x147: {  	v30 =	vperm.xlane v8, v42;
	_ =	sdelay $0x1  }
0x148: {  	v31 =	vmul.f32 v7, v30;
	_ =	sdelay $0x1  }
0x149: {  	v43 =	vmul.f32 v10, v28;
	v31 =	vadd.f32 v31, v6;
	_ =	sdelay $0x1  }
0x14a: {  	v44 =	vmul.f32 v11, v26;
	v31 =	vadd.f32 v43, v31;
	_ =	sdelay $0x1  }
0x14b: {  	v45 =	vmul.f32 v13, v24;
	v31 =	vadd.f32 v44, v31;
	_ =	sdelay $0x1  }
0x14c: {  	v46 =	vmul.f32 v15, v22;
	v31 =	vadd.f32 v45, v31;
	_ =	sdelay $0x1  }
0x14d: {  	v47 =	vmul.f32 v17, v20;
	v31 =	vadd.f32 v46, v31;
	_ =	sdelay $0x1  }
0x14e: {  	v48 =	vmul.f32 v19, v18;
	v31 =	vadd.f32 v47, v31;
	s15 =	spop (v2sf)  }
0x14f: {  	s15 =	sxor.u32 $0x80000000, s15  }
0x150: {  	v49 =	vmul.f32 v21, v16;
	v31 =	vadd.f32 v48, v31;
	v33 =	vadd.s32 s15, v4;
	_ =	sdelay $0x1  }
0x151: {  	v50 =	vmul.f32 v23, v14;
	v31 =	vadd.f32 v49, v31;
	_ =	sdelay $0x1  }
0x152: {  	v51 =	vmul.f32 v25, v12;
	v31 =	vadd.f32 v50, v31  }
0x153: {  	v33 =	vld.idx.msk [tilespmem:v33+s3+$0x0], $0xffff  }
0x154: {  	v52 =	vmul.f32 v27, v9;
	v31 =	vadd.f32 v51, v31;
	_ =	sdelay $0x1  }
0x155: {  	v53 =	vmul.f32 v29, v5;
	v31 =	vadd.f32 v52, v31;
	_ =	sdelay $0x1  }
0x156: {  	v31 =	vadd.f32 v53, v31;
	v54 =	vmul.f32 v33, v3;
	_ =	sdelay $0x1  }
0x157: {  	v31 =	vadd.f32 v54, v31  }
0x158: {  	v55 =	vmov s15  }
0x159: {  	vm7 =	veq.s32 v55, v0;
	v31 =	vmax.f32 v31, $0.0e+00  }
0x15a: {  	vm0 =	vmor vm0, vm7;
	vm8 =	veq.f32 v31, $0.0e+00  }
0x15b: {  	vm1 =	vmor vm0, vm8  }
0x15c: {  	v31 =	vsel vm1, $0x7F800000, v31  }
0x15d: {  	(xrf0) =	vmin.scan.msk.f32 $0xffff, v31;
	_ =	sdelay $0x5  }
0x15e: {  	v56, _, _ =	vpop (xrf0)  }
0x15f: {  	v32 =	vbroadcast v56, $0xF;
	_ =	sdelay $0x1  }
0x160: {  	vm1 =	vne.f32 v31, v32  }
0x161: {  	vm1 =	vmor vm0, vm1  }
0x162: {  	v57 =	vsel vm1, $0x80000010, v2  }
0x163: {  	(xrf0) =	vmin.scan.msk.u32 $0xffff, v57;
	_ =	sdelay $0x4  }
0x164: {  	v58 =	vimm.s32 $0xD  }
0x165: {  	v31 =	vperm.xlane v8, v58;
	v59, _, _ =	vpop (xrf0)  }
0x166: {  	(v2sf) =	vpush v59, $0xF  }
0x167: {  	v60 =	vmul.f32 v7, v31;
	_ =	sdelay $0x1  }
0x168: {  	v34 =	vmul.f32 v10, v30;
	v32 =	vadd.f32 v60, v6;
	_ =	sdelay $0x1  }
0x169: {  	v61 =	vmul.f32 v11, v28;
	v32 =	vadd.f32 v34, v32;
	_ =	sdelay $0x1  }
0x16a: {  	v62 =	vmul.f32 v13, v26;
	v32 =	vadd.f32 v61, v32;
	_ =	sdelay $0x1  }
0x16b: {  	v63 =	vmul.f32 v15, v24;
	v32 =	vadd.f32 v62, v32;
	_ =	sdelay $0x1  }
0x16c: {  	v36 =	vmul.f32 v17, v22;
	v32 =	vadd.f32 v63, v32;
	_ =	sdelay $0x1  }
0x16d: {  	v37 =	vmul.f32 v19, v20;
	v32 =	vadd.f32 v36, v32;
	_ =	sdelay $0x1  }
0x16e: {  	v38 =	vmul.f32 v21, v18;
	v32 =	vadd.f32 v37, v32;
	s16 =	spop (v2sf)  }
0x16f: {  	s16 =	sxor.u32 $0x80000000, s16  }
0x170: {  	v39 =	vmul.f32 v23, v16;
	v32 =	vadd.f32 v38, v32;
	v35 =	vadd.s32 s16, v4;
	_ =	sdelay $0x1  }
0x171: {  	v40 =	vmul.f32 v25, v14;
	v32 =	vadd.f32 v39, v32;
	_ =	sdelay $0x1  }
0x172: {  	v41 =	vmul.f32 v27, v12;
	v32 =	vadd.f32 v40, v32  }
0x173: {  	v35 =	vld.idx.msk [tilespmem:v35+s3+$0x0], $0xffff  }
0x174: {  	v42 =	vmul.f32 v29, v9;
	v32 =	vadd.f32 v41, v32;
	_ =	sdelay $0x1  }
0x175: {  	v43 =	vmul.f32 v33, v5;
	v32 =	vadd.f32 v42, v32;
	_ =	sdelay $0x1  }
0x176: {  	v32 =	vadd.f32 v43, v32;
	v44 =	vmul.f32 v35, v3;
	_ =	sdelay $0x1  }
0x177: {  	v32 =	vadd.f32 v44, v32  }
0x178: {  	v45 =	vmov s16  }
0x179: {  	vm9 =	veq.s32 v45, v0;
	v32 =	vmax.f32 v32, $0.0e+00  }
0x17a: {  	vm0 =	vmor vm0, vm9;
	vm10 =	veq.f32 v32, $0.0e+00  }
0x17b: {  	vm1 =	vmor vm0, vm10  }
0x17c: {  	v32 =	vsel vm1, $0x7F800000, v32  }
0x17d: {  	(xrf0) =	vmin.scan.msk.f32 $0xffff, v32;
	_ =	sdelay $0x5  }
0x17e: {  	v46, _, _ =	vpop (xrf0)  }
0x17f: {  	v34 =	vbroadcast v46, $0xF;
	_ =	sdelay $0x1  }
0x180: {  	vm1 =	vne.f32 v32, v34  }
0x181: {  	vm1 =	vmor vm0, vm1  }
0x182: {  	v47 =	vsel vm1, $0x80000010, v2  }
0x183: {  	(xrf0) =	vmin.scan.msk.u32 $0xffff, v47;
	_ =	sdelay $0x2  }
0x184: {  	v48 =	vimm.s32 $0xE  }
0x185: {  	v8 =	vperm.xlane v8, v48;
	_ =	sdelay $0x1  }
0x186: {  	v7 =	vmul.f32 v7, v8;
	v49, _, _ =	vpop (xrf0)  }
0x187: {  	(v2sf) =	vpush v49, $0xF  }
0x188: {  	v50 =	vmul.f32 v10, v31;
	v6 =	vadd.f32 v7, v6;
	_ =	sdelay $0x1  }
0x189: {  	v51 =	vmul.f32 v11, v30;
	v6 =	vadd.f32 v50, v6;
	_ =	sdelay $0x1  }
0x18a: {  	v52 =	vmul.f32 v13, v28;
	v6 =	vadd.f32 v51, v6;
	_ =	sdelay $0x1  }
0x18b: {  	v53 =	vmul.f32 v15, v26;
	v6 =	vadd.f32 v52, v6;
	_ =	sdelay $0x1  }
0x18c: {  	v54 =	vmul.f32 v17, v24;
	v6 =	vadd.f32 v53, v6;
	_ =	sdelay $0x1  }
0x18d: {  	v55 =	vmul.f32 v19, v22;
	v6 =	vadd.f32 v54, v6;
	_ =	sdelay $0x1  }
0x18e: {  	v56 =	vmul.f32 v21, v20;
	v6 =	vadd.f32 v55, v6;
	_ =	sdelay $0x1  }
0x18f: {  	v57 =	vmul.f32 v23, v18;
	v6 =	vadd.f32 v56, v6;
	s17 =	spop (v2sf)  }
0x190: {  	s17 =	sxor.u32 $0x80000000, s17  }
0x191: {  	v58 =	vmul.f32 v25, v16;
	v6 =	vadd.f32 v57, v6;
	v4 =	vadd.s32 s17, v4;
	_ =	sdelay $0x1  }
0x192: {  	v59 =	vmul.f32 v27, v14;
	v6 =	vadd.f32 v58, v6;
	_ =	sdelay $0x1  }
0x193: {  	v60 =	vmul.f32 v29, v12;
	v6 =	vadd.f32 v59, v6  }
0x194: {  	v4 =	vld.idx.msk [tilespmem:v4+s3+$0x0], $0xffff  }
0x195: {  	v61 =	vmul.f32 v33, v9;
	v6 =	vadd.f32 v60, v6;
	_ =	sdelay $0x1  }
0x196: {  	v6 =	vadd.f32 v61, v6;
	v5 =	vmul.f32 v35, v5;
	_ =	sdelay $0x1  }
0x197: {  	v5 =	vadd.f32 v5, v6;
	v3 =	vmul.f32 v4, v3;
	_ =	sdelay $0x1  }
0x198: {  	v3 =	vadd.f32 v3, v5  }
0x199: {  	v62 =	vmov s17  }
0x19a: {  	vm11 =	veq.s32 v62, v0;
	v3 =	vmax.f32 v3, $0.0e+00  }
0x19b: {  	vm0 =	vmor vm0, vm11;
	vm12 =	veq.f32 v3, $0.0e+00  }
0x19c: {  	vm1 =	vmor vm0, vm12  }
0x19d: {  	v3 =	vsel vm1, $0x7F800000, v3  }
0x19e: {  	(xrf0) =	vmin.scan.msk.f32 $0xffff, v3;
	_ =	sdelay $0x5  }
0x19f: {  	v63, _, _ =	vpop (xrf0)  }
0x1a0: {  	v4 =	vbroadcast v63, $0xF;
	_ =	sdelay $0x1  }
0x1a1: {  	vm1 =	vne.f32 v3, v4  }
0x1a2: {  	vm0 =	vmor vm0, vm1  }
0x1a3: {  	v2 =	vsel vm0, $0x80000010, v2  }
0x1a4: {  	(xrf0) =	vmin.scan.msk.u32 $0xffff, v2;
	_ =	sdelay $0x5  }
0x1a5: {  	v2, _, _ =	vpop (xrf0)  }
0x1a6: {  	(v2sf) =	vpush v2, $0xF;
	_ =	sdelay $0x1  }
0x1a7: {  	vm13 =	vcmask $0x704  }
0x1a8: {  	v1 =	vsel vm13, s4, v1;
	vm14 =	vmmov $0x3  }
0x1a9: {  	v1 =	vnsel vm14, s5, v1;
	vm15 =	vmmov $0x7  }
0x1aa: {  	v1 =	vnsel vm15, s6, v1;
	vm4 =	vmmov $0xf  }
0x1ab: {  	v1 =	vnsel vm4, s7, v1;
	vm5 =	vmmov $0x1f  }
0x1ac: {  	v1 =	vnsel vm5, s8, v1;
	vm6 =	vmmov $0x3f  }
0x1ad: {  	v1 =	vnsel vm6, s9, v1;
	vm7 =	vmmov $0x7f  }
0x1ae: {  	v1 =	vnsel vm7, s10, v1;
	vm8 =	vmmov $0xff  }
0x1af: {  	v1 =	vnsel vm8, s11, v1;
	vm9 =	vmmov $0x1ff  }
0x1b0: {  	v1 =	vnsel vm9, s12, v1;
	vm10 =	vmmov $0x3ff  }
0x1b1: {  	v1 =	vnsel vm10, s13, v1;
	vm11 =	vmmov $0x7ff  }
0x1b2: {  	v1 =	vnsel vm11, s14, v1;
	vm12 =	vmmov $0xfff  }
0x1b3: {  	vm13 =	vmmov $0x1fff;
	v1 =	vnsel vm12, s15, v1  }
0x1b4: {  	vm14 =	vmmov $0x3fff;
	v1 =	vnsel vm13, s16, v1;
	s30 =	spop (v2sf)  }
0x1b5: {  	vm15 =	veq.s32 v0, $0xF;
	v1 =	vnsel vm14, s17, v1;
	s4 =	sxor.u32 $0x80000000, s30  }
0x1b6: {  	v0 =	vsel vm15, s4, v1  }
0x1b7: {  	s31 =	simm.s32 $0xC00;
	[tilespmem:$0xC00] =	vst v0  }
0x1b8: {  	[hbm4b:s1+s3] =	stream.linear.scatter [tilespmem:s31], [sflag:$0x1], $0x80, $0x38;
	[tilespmem:$0xC80] =	vst v63  }
0x1b9: {  	_ =	swait.ge [sflag:s29], $0x80  }
0x1ba: {  	[sflag:s29] =	ssyncset.done $0x0  }
0x1bb: {  	[sflag:s29] =	ssyncadd.s32 $0xFFFFFF80  }
.LBB2_2:
0x1bc: {  	_ =	sfence.sel $0x180000  }
0x1bd: {  	[bflag:$0x0] =	sbarrier.arrive $0xFFFF  }
0x1be: {  	_ =	strace $0x90000047  }
0x1bf: {  	s0 =	sadd.s32 @!p0 $0x100000, s0;
	[bflag:$0x2] =	sbarrier.arrive $0xFFFF  }
0x1c0: {  	[sflag:s0] =	ssyncadd.tile.s32 @!p0 $0x1;
	_ =	shalt  }
.Lfunc_end2:
_tile_overlayer_lowered:
.L_overlay_start_2:
0x1c1: {  	(tag) =	ssettag $0x2  }
0x1c2: {  	s0 =	rddreg [dreg:$0x0];
	s2 =	stileid.u32  }
0x1c3: {  	s1 =	rddreg [dreg:$0x1];
	p0 =	sne.s32 s2, $0x0  }
0x1c4: {  	s3 =	rddreg [dreg:$0x2];
	[bflag:$0x3] =	sbarrier.arrive $0xFFFF;
	s2 =	simm.s32 @!p0 $0x1C01  }
0x1c5: {  	[timem:s3], [sflag:s2] =	dma.local @!p0 [hbm:s0], s1  }
0x1c6: {  	s0 =	simm.s32 @!p0 $0x1  }
0x1c7: {  	_ =	swait.ge @!p0 [sflag:s0], s1  }
0x1c8: {  	s1 =	ssub.s32 @!p0 $0x0, s1;
	[sflag:s0] =	ssyncset.done @!p0 $0x0  }
0x1c9: {  	[sflag:s0] =	ssyncadd.s32 @!p0 s1  }
0x1ca: {  	[bflag:$0x3] =	sbarrier.arrive $0xFFFF  }
0x1cb: {  	_ =	shalt  }

</sc_bundles>
